<compile_context>
chip_gen: v7x
topology: tpu7x:2x2x1
jax: 0.10.2.dev20260603
libtpu: 0.0.44.dev20260713+nightly
codegen_flags: <defaults>
</compile_context>

<pallas_src>
import dataclasses
import functools

import jax
import jax.numpy as jnp
from jax import lax
from jax.experimental import pallas as pl
from jax.experimental.pallas import tpu as pltpu
from jax.experimental.pallas import tpu_sc as plsc

N = 10000
DI = 128
DH = 256
DO = 128
NC = 2
NS = 16
NW = NC * NS
NPAD = 10240
RPT = NPAD // NS
K = 128
KB = 128

_MESH = plsc.VectorSubcoreMesh(core_axis_name="c", subcore_axis_name="s")


def _sc_params():
    cp = pltpu.CompilerParams()
    if "needs_layout_passes" in pltpu.CompilerParams.__dataclass_fields__:
        cp = dataclasses.replace(cp, needs_layout_passes=False)
    return cp


def _deg_call(dst4, nb):

    @functools.partial(
        pl.kernel,
        out_type=jax.ShapeDtypeStruct((NC, NPAD), jnp.float32),
        mesh=_MESH,
        compiler_params=_sc_params(),
        scratch_types=[
            pltpu.VMEM((nb, K), jnp.int32),
            pltpu.VMEM((NPAD,), jnp.float32),
            pltpu.VMEM_SHARED((NS, NPAD), jnp.float32),
            pltpu.VMEM((NS, RPT), jnp.float32),
            pltpu.VMEM((RPT,), jnp.float32),
            pltpu.SemaphoreType.DMA,
        ],
    )
    def deg_kernel(dst_hbm, deg_hbm, dst_v, deg_v, slots, chunk_v, res_v, sem):
        c = lax.axis_index("c")
        s = lax.axis_index("s")
        zeros16 = jnp.zeros((16,), jnp.float32)
        ones16 = jnp.ones((16,), jnp.float32)

        @pl.loop(0, NPAD, step=16)
        def _(i):
            deg_v[pl.ds(i, 16)] = zeros16

        pltpu.sync_copy(dst_hbm.at[c, s], dst_v)

        @pl.loop(0, nb)
        def _(r):
            @pl.loop(0, K, step=16)
            def _(k):
                idx = dst_v[r, pl.ds(k, 16)]
                plsc.addupdate_scatter(deg_v, [idx], ones16)

        pltpu.sync_copy(deg_v, slots.at[s])
        plsc.subcore_barrier()

        r0 = s * RPT
        pltpu.sync_copy(slots.at[:, pl.ds(r0, RPT)], chunk_v)

        @pl.loop(0, RPT, step=16)
        def _(i):
            acc = chunk_v[0, pl.ds(i, 16)]
            for t in range(1, NS):
                acc = acc + chunk_v[t, pl.ds(i, 16)]
            res_v[pl.ds(i, 16)] = acc

        pltpu.sync_copy(res_v, deg_hbm.at[c, pl.ds(r0, RPT)])

    return deg_kernel(dst4)


def _spmm_call(src4, dst4, y, nb):

    kb = KB

    @functools.partial(
        pl.kernel,
        out_type=jax.ShapeDtypeStruct((NC, NPAD, DI), jnp.float32),
        mesh=_MESH,
        compiler_params=_sc_params(),
        scratch_types=[
            pltpu.VMEM((kb,), jnp.int32),
            pltpu.VMEM((kb,), jnp.int32),
            pltpu.VMEM((kb, DI), jnp.float32),
            pltpu.VMEM_SHARED((NPAD, DI), jnp.float32),
            pltpu.SemaphoreType.DMA,
        ],
    )
    def spmm_kernel(src_hbm, dst_hbm, y_hbm, p_hbm,
                    src_v, dst_v, rows_v, acc, sem):
        c = lax.axis_index("c")
        s = lax.axis_index("s")
        zeros16 = jnp.zeros((16,), jnp.float32)

        @pl.loop(0, K)
        def _(r):
            @pl.loop(0, DI, step=16)
            def _(k):
                rows_v[r, pl.ds(k, 16)] = zeros16

        @pl.loop(0, RPT, step=K)
        def _(m):
            pltpu.sync_copy(rows_v, acc.at[pl.ds(s * RPT + m, K)])

        plsc.subcore_barrier()

        @pl.loop(0, nb)
        def _(j):
            pltpu.sync_copy(src_hbm.at[c, s, j], src_v)
            pltpu.sync_copy(dst_hbm.at[c, s, j], dst_v)
            pltpu.async_copy(y_hbm.at[src_v], rows_v, sem).wait()
            pltpu.sync_copy(rows_v, acc.at[dst_v], add=True)

        plsc.subcore_barrier()

        @pl.loop(0, RPT, step=K)
        def _(m):
            pltpu.sync_copy(acc.at[pl.ds(s * RPT + m, K)], rows_v)
            pltpu.sync_copy(rows_v, p_hbm.at[c, pl.ds(s * RPT + m, K)])

    return spmm_kernel(src4, dst4, y)


def _tc1_call(x_pad, degs_t):
    br = 2048
    grid = (NPAD // br,)

    def body(x_ref, d_ref, y1_ref, dinv_ref):
        deg = d_ref[:, 0:1] + d_ref[:, 1:2] + 1.0
        dinv = lax.rsqrt(deg)
        dinv_ref[...] = dinv
        y1_ref[...] = x_ref[...] * dinv

    return pl.pallas_call(
        body,
        grid=grid,
        in_specs=[
            pl.BlockSpec((br, DI), lambda i: (i, 0)),
            pl.BlockSpec((br, NC), lambda i: (i, 0)),
        ],
        out_specs=[
            pl.BlockSpec((br, DI), lambda i: (i, 0)),
            pl.BlockSpec((br, 1), lambda i: (i, 0)),
        ],
        out_shape=[
            jax.ShapeDtypeStruct((NPAD, DI), jnp.float32),
            jax.ShapeDtypeStruct((NPAD, 1), jnp.float32),
        ],
    )(x_pad, degs_t)


def _tc2_call(p, y1, dinv, W1, b1, W2, b2):
    br = 1024
    grid = (NPAD // br,)

    def body(p_ref, y1_ref, dinv_ref, w1_ref, b1_ref, w2_ref, y2_ref):
        dv = dinv_ref[...]
        a = (p_ref[0] + p_ref[1] + y1_ref[...]) * dv
        h = jnp.dot(a, w1_ref[...], preferred_element_type=jnp.float32)
        h = jnp.maximum(h + b1_ref[...], 0.0)
        t = jnp.dot(h, w2_ref[...], preferred_element_type=jnp.float32)
        y2_ref[...] = t * dv

    return pl.pallas_call(
        body,
        grid=grid,
        in_specs=[
            pl.BlockSpec((NC, br, DI), lambda i: (0, i, 0)),
            pl.BlockSpec((br, DI), lambda i: (i, 0)),
            pl.BlockSpec((br, 1), lambda i: (i, 0)),
            pl.BlockSpec((DI, DH), lambda i: (0, 0)),
            pl.BlockSpec((1, DH), lambda i: (0, 0)),
            pl.BlockSpec((DH, DO), lambda i: (0, 0)),
        ],
        out_specs=pl.BlockSpec((br, DO), lambda i: (i, 0)),
        out_shape=jax.ShapeDtypeStruct((NPAD, DO), jnp.float32),
    )(p, y1, dinv, W1, b1, W2)


def _tc3_call(p2, y2, dinv, b2):
    br = 2048
    grid = (NPAD // br,)

    def body(p_ref, y2_ref, dinv_ref, b2_ref, z_ref):
        dv = dinv_ref[...]
        z = (p_ref[0] + p_ref[1] + y2_ref[...]) * dv + b2_ref[...]
        z_ref[...] = jnp.maximum(z, 0.0)

    return pl.pallas_call(
        body,
        grid=grid,
        in_specs=[
            pl.BlockSpec((NC, br, DO), lambda i: (0, i, 0)),
            pl.BlockSpec((br, DO), lambda i: (i, 0)),
            pl.BlockSpec((br, 1), lambda i: (i, 0)),
            pl.BlockSpec((1, DO), lambda i: (0, 0)),
        ],
        out_specs=pl.BlockSpec((br, DO), lambda i: (i, 0)),
        out_shape=jax.ShapeDtypeStruct((NPAD, DO), jnp.float32),
    )(p2, y2, dinv, b2)


def kernel(x, edge_index, W1, b1, W2, b2):
    e = edge_index.shape[1]
    assert e % NW == 0
    ew = e // NW
    nb = (ew + KB - 1) // KB
    ewp = nb * KB
    nbd = ewp // K

    src = edge_index[0].astype(jnp.int32).reshape(NW, ew)
    dst = edge_index[1].astype(jnp.int32).reshape(NW, ew)
    if ewp != ew:
        pad = jnp.full((NW, ewp - ew), NPAD - 1, jnp.int32)
        src = jnp.concatenate([src, pad], axis=1)
        dst = jnp.concatenate([dst, pad], axis=1)
    src4 = src.reshape(NC, NS, nb, KB)
    dst4 = dst.reshape(NC, NS, nb, KB)
    dstd = dst.reshape(NC, NS, nbd, K)

    x_pad = jnp.pad(x, ((0, NPAD - N), (0, 0)))
    b1r = b1.reshape(1, DH)
    b2r = b2.reshape(1, DO)

    degs = _deg_call(dstd, nbd)
    y1, dinv = _tc1_call(x_pad, degs.T)
    p1 = _spmm_call(src4, dst4, y1, nb)
    y2 = _tc2_call(p1, y1, dinv, W1, b1r, W2, b2r)
    p2 = _spmm_call(src4, dst4, y2, nb)
    z = _tc3_call(p2, y2, dinv, b2r)
    return z[:N]

# --- scband reference (transcript-rebuilt; emitter-appended) ---
"""Pipeline reference for scband-grace-66941360276190 (READ-ONLY COPY).

The authoritative reference and input builder live on the scoring server;
editing this copy changes nothing except your own understanding.
"""

import jax, jax.numpy as jnp
import numpy as np

N = 10000
E = 320000
D_IN = 128
D_OUT = 128
D_HID = 2 * D_OUT  # first GCN layer maps in_channels -> 2*out_channels


def gcn_conv(x, edge_index, W, b):
    n = x.shape[0]
    h = x @ W
    src = edge_index[0]
    dst = edge_index[1]
    loop = jnp.arange(n, dtype=edge_index.dtype)
    src = jnp.concatenate([src, loop])
    dst = jnp.concatenate([dst, loop])
    deg = jnp.zeros((n,), dtype=h.dtype).at[dst].add(1.0)
    dinv = jnp.where(deg > 0, jax.lax.rsqrt(deg), 0.0)
    norm = dinv[src] * dinv[dst]
    msg = h[src] * norm[:, None]
    out = jnp.zeros_like(h).at[dst].add(msg)
    return out + b


def setup_inputs(seed: int = 0) -> dict:
    key = jax.random.key(seed)
    k1, k2, k3, k4 = jax.random.split(key, 4)
    x = jax.random.normal(k1, (N, D_IN), dtype=jnp.float32)
    edge_index = jax.random.randint(k2, (2, E), 0, N, dtype=jnp.int64)
    # GCNConv layer 1: in_channels -> 2*out_channels
    W1 = jax.random.normal(k3, (D_IN, D_HID), dtype=jnp.float32) * (1.0 / np.sqrt(D_IN))
    b1 = jnp.zeros((D_HID,), dtype=jnp.float32)
    # GCNConv layer 2: 2*out_channels -> out_channels
    W2 = jax.random.normal(k4, (D_HID, D_OUT), dtype=jnp.float32) * (1.0 / np.sqrt(D_HID))
    b2 = jnp.zeros((D_OUT,), dtype=jnp.float32)
    return {"x": x, "edge_index": edge_index, "W1": W1, "b1": b1, "W2": W2, "b2": b2}


def reference(x, edge_index, W1, b1, W2, b2):
    # Encoder.forward (skip=False, k=2): activation(conv_i(x, edge_index)) for each layer
    h = jax.nn.relu(gcn_conv(x, edge_index, W1, b1))
    z = jax.nn.relu(gcn_conv(h, edge_index, W2, b2))
    return z

if __name__ == "__main__":
    import jax
    _d = setup_inputs()
    print(jax.jit(kernel)(*tuple(_d.values())))

</pallas_src>

<mosaic_0001>
#map = affine_map<(d0, d1) -> (0, 0, 0, 0)>
#map1 = affine_map<(d0, d1) -> (0, 0)>
module attributes {stable_mosaic.version = 14 : i64} {
  func.func @deg_kernel(%arg0: i32, %arg1: i32, %arg2: memref<2x16x79x128xi32, #tpu.memory_space<hbm>>, %arg3: memref<2x10240xf32, #tpu.memory_space<hbm>>, %arg4: memref<79x128xi32, #tpu.memory_space<vmem>>, %arg5: memref<10240xf32, #tpu.memory_space<vmem>>, %arg6: memref<16x10240xf32, #tpu.memory_space<vmem_shared>>, %arg7: memref<16x640xf32, #tpu.memory_space<vmem>>, %arg8: memref<640xf32, #tpu.memory_space<vmem>>, %arg9: memref<!tpu.dma_semaphore, #tpu.memory_space<semaphore_mem>>) attributes {dimension_semantics = [#tpu.dimension_semantics<core_parallel>, #tpu.dimension_semantics<subcore_parallel>], iteration_bounds = array<i64: 2, 16>, scalar_prefetch = 0 : i64, scratch_operands = 6 : i64, tpu.core_type = #tpu.core_type<sc_vector_subcore>, window_params = [{transform_indices = #map}, {transform_indices = #map1}]} {
    %broadcast_in_dim3A = arith.constant 0.000000e+00 : f32
    %broadcast_in_dim3A_0 = vector.broadcast %broadcast_in_dim3A : f32 to vector<16xf32>
    %broadcast_in_dim3A_1 = arith.constant 1.000000e+00 : f32
    %broadcast_in_dim3A_2 = vector.broadcast %broadcast_in_dim3A_1 : f32 to vector<16xf32>
    %scan3A = arith.constant 0 : i32
    %scan3A_3 = arith.constant 640 : i32
    %scan3A_4 = arith.addi %scan3A, %scan3A_3 : i32
    %scan3A_5 = arith.constant 1 : i32
    scf.for %scan3A_18 = %scan3A to %scan3A_4 step %scan3A_5  : i32 {
      %mul3A_19 = arith.constant 16 : i32
      %mul3A_20 = arith.muli %scan3A_18, %mul3A_19 : i32
      %add3A = arith.constant 0 : i32
      %add3A_21 = arith.addi %add3A, %mul3A_20 : i32
      %swap3A = arith.index_cast %add3A_21 : i32 to index
      %swap3A_22 = tpu.vector_load %arg5[%swap3A] {strides = array<i32>} : memref<10240xf32, #tpu.memory_space<vmem>>, vector<16xf32>,
      tpu.vector_store %arg5[%swap3A], %broadcast_in_dim3A_0 {strides = array<i32>} : memref<10240xf32, #tpu.memory_space<vmem>>, vector<16xf32>,
    }
    %scan3A_6 = arith.constant 640 : i32
    "tpu.region"() ({
      %run_scoped3A = tpu.sem_alloc : memref<!tpu.dma_semaphore, #tpu.memory_space<semaphore_mem>>
      %dma_start3A = arith.constant 0 : i32
      %dma_start3A_18 = arith.constant 0 : i32
      %dma_start3A_19 = tpu.memref_slice %arg2[%arg0, %arg1, %dma_start3A, %dma_start3A_18] : memref<2x16x79x128xi32, #tpu.memory_space<hbm>> -> memref<1x1x79x128xi32, #tpu.memory_space<hbm>>
      %dma_start3A_20 = tpu.memref_squeeze %dma_start3A_19 : memref<1x1x79x128xi32, #tpu.memory_space<hbm>> -> memref<79x128xi32, #tpu.memory_space<hbm>>
      %dma_start3A_21 = arith.constant 0 : i32
      %dma_start3A_22 = arith.constant 0 : i32
      %dma_start3A_23 = tpu.memref_slice %arg2[%arg0, %arg1, %dma_start3A_21, %dma_start3A_22] : memref<2x16x79x128xi32, #tpu.memory_space<hbm>> -> memref<1x1x79x128xi32, #tpu.memory_space<hbm>>
      %dma_start3A_24 = tpu.memref_squeeze %dma_start3A_23 : memref<1x1x79x128xi32, #tpu.memory_space<hbm>> -> memref<79x128xi32, #tpu.memory_space<hbm>>
      tpu.enqueue_dma source(%dma_start3A_24 : memref<79x128xi32, #tpu.memory_space<hbm>>) target(%arg4 : memref<79x128xi32, #tpu.memory_space<vmem>>) target_semaphore(%run_scoped3A : memref<!tpu.dma_semaphore, #tpu.memory_space<semaphore_mem>>)
      %dma_wait3A = arith.constant 0 : i32
      %dma_wait3A_25 = arith.constant 0 : i32
      %dma_wait3A_26 = tpu.memref_slice %arg2[%arg0, %arg1, %dma_wait3A, %dma_wait3A_25] : memref<2x16x79x128xi32, #tpu.memory_space<hbm>> -> memref<1x1x79x128xi32, #tpu.memory_space<hbm>>
      %dma_wait3A_27 = tpu.memref_squeeze %dma_wait3A_26 : memref<1x1x79x128xi32, #tpu.memory_space<hbm>> -> memref<79x128xi32, #tpu.memory_space<hbm>>
      %dma_wait3A_28 = arith.constant 0 : i32
      %dma_wait3A_29 = arith.constant 0 : i32
      %dma_wait3A_30 = tpu.memref_slice %arg2[%arg0, %arg1, %dma_wait3A_28, %dma_wait3A_29] : memref<2x16x79x128xi32, #tpu.memory_space<hbm>> -> memref<1x1x79x128xi32, #tpu.memory_space<hbm>>
      %dma_wait3A_31 = tpu.memref_squeeze %dma_wait3A_30 : memref<1x1x79x128xi32, #tpu.memory_space<hbm>> -> memref<79x128xi32, #tpu.memory_space<hbm>>
      tpu.wait_dma2 semaphore(%run_scoped3A : memref<!tpu.dma_semaphore, #tpu.memory_space<semaphore_mem>>) src(%dma_wait3A_31 : memref<79x128xi32, #tpu.memory_space<hbm>>) dst(%arg4 : memref<79x128xi32, #tpu.memory_space<vmem>>)
      tpu.yield
    }) : () -> ()
    %scan3A_7 = arith.constant 0 : i32
    %scan3A_8 = arith.constant 79 : i32
    %scan3A_9 = arith.addi %scan3A_7, %scan3A_8 : i32
    %scan3A_10 = arith.constant 1 : i32
    scf.for %scan3A_18 = %scan3A_7 to %scan3A_9 step %scan3A_10  : i32 {
      %mul3A_19 = arith.constant 1 : i32
      %mul3A_20 = arith.muli %scan3A_18, %mul3A_19 : i32
      %add3A = arith.constant 0 : i32
      %add3A_21 = arith.addi %add3A, %mul3A_20 : i32
      %scan3A_22 = arith.constant 0 : i32
      %scan3A_23 = arith.constant 8 : i32
      %scan3A_24 = arith.addi %scan3A_22, %scan3A_23 : i32
      %scan3A_25 = arith.constant 1 : i32
      scf.for %scan3A_27 = %scan3A_22 to %scan3A_24 step %scan3A_25  : i32 {
        %mul3A_28 = arith.constant 16 : i32
        %mul3A_29 = arith.muli %scan3A_27, %mul3A_28 : i32
        %add3A_30 = arith.constant 0 : i32
        %add3A_31 = arith.addi %add3A_30, %mul3A_29 : i32
        %get3A = arith.index_cast %add3A_21 : i32 to index
        %get3A_32 = arith.index_cast %add3A_31 : i32 to index
        %get3A_33 = tpu.vector_load %arg4[%get3A, %get3A_32] {strides = array<i32>} : memref<79x128xi32, #tpu.memory_space<vmem>>, vector<16xi32>,
        tpu.vector_store_idx %arg5[%get3A_33], %broadcast_in_dim3A_2 {add = true} : memref<10240xf32, #tpu.memory_space<vmem>>[vector<16xi32>], vector<16xf32>,
      }
      %scan3A_26 = arith.constant 8 : i32
    }
    %scan3A_11 = arith.constant 79 : i32
    "tpu.region"() ({
      %run_scoped3A = tpu.sem_alloc : memref<!tpu.dma_semaphore, #tpu.memory_space<semaphore_mem>>
      %dma_start3A = arith.constant 0 : i32
      %dma_start3A_18 = tpu.memref_slice %arg6[%arg1, %dma_start3A] : memref<16x10240xf32, #tpu.memory_space<vmem_shared>> -> memref<1x10240xf32, #tpu.memory_space<vmem_shared>>
      %dma_start3A_19 = tpu.memref_squeeze %dma_start3A_18 : memref<1x10240xf32, #tpu.memory_space<vmem_shared>> -> memref<10240xf32, #tpu.memory_space<vmem_shared>>
      %dma_start3A_20 = arith.constant 0 : i32
      %dma_start3A_21 = tpu.memref_slice %arg6[%arg1, %dma_start3A_20] : memref<16x10240xf32, #tpu.memory_space<vmem_shared>> -> memref<1x10240xf32, #tpu.memory_space<vmem_shared>>
      %dma_start3A_22 = tpu.memref_squeeze %dma_start3A_21 : memref<1x10240xf32, #tpu.memory_space<vmem_shared>> -> memref<10240xf32, #tpu.memory_space<vmem_shared>>
      tpu.enqueue_dma source(%arg5 : memref<10240xf32, #tpu.memory_space<vmem>>) target(%dma_start3A_22 : memref<10240xf32, #tpu.memory_space<vmem_shared>>) target_semaphore(%run_scoped3A : memref<!tpu.dma_semaphore, #tpu.memory_space<semaphore_mem>>)
      %dma_wait3A = arith.constant 0 : i32
      %dma_wait3A_23 = tpu.memref_slice %arg6[%arg1, %dma_wait3A] : memref<16x10240xf32, #tpu.memory_space<vmem_shared>> -> memref<1x10240xf32, #tpu.memory_space<vmem_shared>>
      %dma_wait3A_24 = tpu.memref_squeeze %dma_wait3A_23 : memref<1x10240xf32, #tpu.memory_space<vmem_shared>> -> memref<10240xf32, #tpu.memory_space<vmem_shared>>
      %dma_wait3A_25 = arith.constant 0 : i32
      %dma_wait3A_26 = tpu.memref_slice %arg6[%arg1, %dma_wait3A_25] : memref<16x10240xf32, #tpu.memory_space<vmem_shared>> -> memref<1x10240xf32, #tpu.memory_space<vmem_shared>>
      %dma_wait3A_27 = tpu.memref_squeeze %dma_wait3A_26 : memref<1x10240xf32, #tpu.memory_space<vmem_shared>> -> memref<10240xf32, #tpu.memory_space<vmem_shared>>
      tpu.wait_dma2 semaphore(%run_scoped3A : memref<!tpu.dma_semaphore, #tpu.memory_space<semaphore_mem>>) src(%arg5 : memref<10240xf32, #tpu.memory_space<vmem>>) dst(%dma_wait3A_27 : memref<10240xf32, #tpu.memory_space<vmem_shared>>)
      tpu.yield
    }) : () -> ()
    %barrier3A = arith.constant 0 : index
    tpu.barrier barrier_id(%barrier3A)
    %mul3A = arith.constant 640 : i32
    %mul3A_12 = arith.muli %arg1, %mul3A : i32
    "tpu.region"() ({
      %run_scoped3A = tpu.sem_alloc : memref<!tpu.dma_semaphore, #tpu.memory_space<semaphore_mem>>
      %dma_start3A = arith.constant 0 : i32
      %dma_start3A_18 = tpu.memref_slice %arg6[%dma_start3A, %mul3A_12] : memref<16x10240xf32, #tpu.memory_space<vmem_shared>> -> memref<16x640xf32, #tpu.memory_space<vmem_shared>>
      %dma_start3A_19 = arith.constant 0 : i32
      %dma_start3A_20 = tpu.memref_slice %arg6[%dma_start3A_19, %mul3A_12] : memref<16x10240xf32, #tpu.memory_space<vmem_shared>> -> memref<16x640xf32, #tpu.memory_space<vmem_shared>>
      tpu.enqueue_dma source(%dma_start3A_20 : memref<16x640xf32, #tpu.memory_space<vmem_shared>>) target(%arg7 : memref<16x640xf32, #tpu.memory_space<vmem>>) target_semaphore(%run_scoped3A : memref<!tpu.dma_semaphore, #tpu.memory_space<semaphore_mem>>)
      %dma_wait3A = arith.constant 0 : i32
      %dma_wait3A_21 = tpu.memref_slice %arg6[%dma_wait3A, %mul3A_12] : memref<16x10240xf32, #tpu.memory_space<vmem_shared>> -> memref<16x640xf32, #tpu.memory_space<vmem_shared>>
      %dma_wait3A_22 = arith.constant 0 : i32
      %dma_wait3A_23 = tpu.memref_slice %arg6[%dma_wait3A_22, %mul3A_12] : memref<16x10240xf32, #tpu.memory_space<vmem_shared>> -> memref<16x640xf32, #tpu.memory_space<vmem_shared>>
      tpu.wait_dma2 semaphore(%run_scoped3A : memref<!tpu.dma_semaphore, #tpu.memory_space<semaphore_mem>>) src(%dma_wait3A_23 : memref<16x640xf32, #tpu.memory_space<vmem_shared>>) dst(%arg7 : memref<16x640xf32, #tpu.memory_space<vmem>>)
      tpu.yield
    }) : () -> ()
    %scan3A_13 = arith.constant 0 : i32
    %scan3A_14 = arith.constant 40 : i32
    %scan3A_15 = arith.addi %scan3A_13, %scan3A_14 : i32
    %scan3A_16 = arith.constant 1 : i32
    scf.for %scan3A_18 = %scan3A_13 to %scan3A_15 step %scan3A_16  : i32 {
      %mul3A_19 = arith.constant 16 : i32
      %mul3A_20 = arith.muli %scan3A_18, %mul3A_19 : i32
      %add3A = arith.constant 0 : i32
      %add3A_21 = arith.addi %add3A, %mul3A_20 : i32
      %get3A = arith.constant 0 : i32
      %get3A_22 = arith.index_cast %get3A : i32 to index
      %get3A_23 = arith.index_cast %add3A_21 : i32 to index
      %get3A_24 = tpu.vector_load %arg7[%get3A_22, %get3A_23] {strides = array<i32>} : memref<16x640xf32, #tpu.memory_space<vmem>>, vector<16xf32>,
      %get3A_25 = arith.constant 1 : i32
      %get3A_26 = arith.index_cast %get3A_25 : i32 to index
      %get3A_27 = arith.index_cast %add3A_21 : i32 to index
      %get3A_28 = tpu.vector_load %arg7[%get3A_26, %get3A_27] {strides = array<i32>} : memref<16x640xf32, #tpu.memory_space<vmem>>, vector<16xf32>,
      %add3A_29 = arith.addf %get3A_24, %get3A_28 : vector<16xf32>
      %get3A_30 = arith.constant 2 : i32
      %get3A_31 = arith.index_cast %get3A_30 : i32 to index
      %get3A_32 = arith.index_cast %add3A_21 : i32 to index
      %get3A_33 = tpu.vector_load %arg7[%get3A_31, %get3A_32] {strides = array<i32>} : memref<16x640xf32, #tpu.memory_space<vmem>>, vector<16xf32>,
      %add3A_34 = arith.addf %add3A_29, %get3A_33 : vector<16xf32>
      %get3A_35 = arith.constant 3 : i32
      %get3A_36 = arith.index_cast %get3A_35 : i32 to index
      %get3A_37 = arith.index_cast %add3A_21 : i32 to index
      %get3A_38 = tpu.vector_load %arg7[%get3A_36, %get3A_37] {strides = array<i32>} : memref<16x640xf32, #tpu.memory_space<vmem>>, vector<16xf32>,
      %add3A_39 = arith.addf %add3A_34, %get3A_38 : vector<16xf32>
      %get3A_40 = arith.constant 4 : i32
      %get3A_41 = arith.index_cast %get3A_40 : i32 to index
      %get3A_42 = arith.index_cast %add3A_21 : i32 to index
      %get3A_43 = tpu.vector_load %arg7[%get3A_41, %get3A_42] {strides = array<i32>} : memref<16x640xf32, #tpu.memory_space<vmem>>, vector<16xf32>,
      %add3A_44 = arith.addf %add3A_39, %get3A_43 : vector<16xf32>
      %get3A_45 = arith.constant 5 : i32
      %get3A_46 = arith.index_cast %get3A_45 : i32 to index
      %get3A_47 = arith.index_cast %add3A_21 : i32 to index
      %get3A_48 = tpu.vector_load %arg7[%get3A_46, %get3A_47] {strides = array<i32>} : memref<16x640xf32, #tpu.memory_space<vmem>>, vector<16xf32>,
      %add3A_49 = arith.addf %add3A_44, %get3A_48 : vector<16xf32>
      %get3A_50 = arith.constant 6 : i32
      %get3A_51 = arith.index_cast %get3A_50 : i32 to index
      %get3A_52 = arith.index_cast %add3A_21 : i32 to index
      %get3A_53 = tpu.vector_load %arg7[%get3A_51, %get3A_52] {strides = array<i32>} : memref<16x640xf32, #tpu.memory_space<vmem>>, vector<16xf32>,
      %add3A_54 = arith.addf %add3A_49, %get3A_53 : vector<16xf32>
      %get3A_55 = arith.constant 7 : i32
      %get3A_56 = arith.index_cast %get3A_55 : i32 to index
      %get3A_57 = arith.index_cast %add3A_21 : i32 to index
      %get3A_58 = tpu.vector_load %arg7[%get3A_56, %get3A_57] {strides = array<i32>} : memref<16x640xf32, #tpu.memory_space<vmem>>, vector<16xf32>,
      %add3A_59 = arith.addf %add3A_54, %get3A_58 : vector<16xf32>
      %get3A_60 = arith.constant 8 : i32
      %get3A_61 = arith.index_cast %get3A_60 : i32 to index
      %get3A_62 = arith.index_cast %add3A_21 : i32 to index
      %get3A_63 = tpu.vector_load %arg7[%get3A_61, %get3A_62] {strides = array<i32>} : memref<16x640xf32, #tpu.memory_space<vmem>>, vector<16xf32>,
      %add3A_64 = arith.addf %add3A_59, %get3A_63 : vector<16xf32>
      %get3A_65 = arith.constant 9 : i32
      %get3A_66 = arith.index_cast %get3A_65 : i32 to index
      %get3A_67 = arith.index_cast %add3A_21 : i32 to index
      %get3A_68 = tpu.vector_load %arg7[%get3A_66, %get3A_67] {strides = array<i32>} : memref<16x640xf32, #tpu.memory_space<vmem>>, vector<16xf32>,
      %add3A_69 = arith.addf %add3A_64, %get3A_68 : vector<16xf32>
      %get3A_70 = arith.constant 10 : i32
      %get3A_71 = arith.index_cast %get3A_70 : i32 to index
      %get3A_72 = arith.index_cast %add3A_21 : i32 to index
      %get3A_73 = tpu.vector_load %arg7[%get3A_71, %get3A_72] {strides = array<i32>} : memref<16x640xf32, #tpu.memory_space<vmem>>, vector<16xf32>,
      %add3A_74 = arith.addf %add3A_69, %get3A_73 : vector<16xf32>
      %get3A_75 = arith.constant 11 : i32
      %get3A_76 = arith.index_cast %get3A_75 : i32 to index
      %get3A_77 = arith.index_cast %add3A_21 : i32 to index
      %get3A_78 = tpu.vector_load %arg7[%get3A_76, %get3A_77] {strides = array<i32>} : memref<16x640xf32, #tpu.memory_space<vmem>>, vector<16xf32>,
      %add3A_79 = arith.addf %add3A_74, %get3A_78 : vector<16xf32>
      %get3A_80 = arith.constant 12 : i32
      %get3A_81 = arith.index_cast %get3A_80 : i32 to index
      %get3A_82 = arith.index_cast %add3A_21 : i32 to index
      %get3A_83 = tpu.vector_load %arg7[%get3A_81, %get3A_82] {strides = array<i32>} : memref<16x640xf32, #tpu.memory_space<vmem>>, vector<16xf32>,
      %add3A_84 = arith.addf %add3A_79, %get3A_83 : vector<16xf32>
      %get3A_85 = arith.constant 13 : i32
      %get3A_86 = arith.index_cast %get3A_85 : i32 to index
      %get3A_87 = arith.index_cast %add3A_21 : i32 to index
      %get3A_88 = tpu.vector_load %arg7[%get3A_86, %get3A_87] {strides = array<i32>} : memref<16x640xf32, #tpu.memory_space<vmem>>, vector<16xf32>,
      %add3A_89 = arith.addf %add3A_84, %get3A_88 : vector<16xf32>
      %get3A_90 = arith.constant 14 : i32
      %get3A_91 = arith.index_cast %get3A_90 : i32 to index
      %get3A_92 = arith.index_cast %add3A_21 : i32 to index
      %get3A_93 = tpu.vector_load %arg7[%get3A_91, %get3A_92] {strides = array<i32>} : memref<16x640xf32, #tpu.memory_space<vmem>>, vector<16xf32>,
      %add3A_94 = arith.addf %add3A_89, %get3A_93 : vector<16xf32>
      %get3A_95 = arith.constant 15 : i32
      %get3A_96 = arith.index_cast %get3A_95 : i32 to index
      %get3A_97 = arith.index_cast %add3A_21 : i32 to index
      %get3A_98 = tpu.vector_load %arg7[%get3A_96, %get3A_97] {strides = array<i32>} : memref<16x640xf32, #tpu.memory_space<vmem>>, vector<16xf32>,
      %add3A_99 = arith.addf %add3A_94, %get3A_98 : vector<16xf32>
      %swap3A = arith.index_cast %add3A_21 : i32 to index
      %swap3A_100 = tpu.vector_load %arg8[%swap3A] {strides = array<i32>} : memref<640xf32, #tpu.memory_space<vmem>>, vector<16xf32>,
      tpu.vector_store %arg8[%swap3A], %add3A_99 {strides = array<i32>} : memref<640xf32, #tpu.memory_space<vmem>>, vector<16xf32>,
    }
    %scan3A_17 = arith.constant 40 : i32
    "tpu.region"() ({
      %run_scoped3A = tpu.sem_alloc : memref<!tpu.dma_semaphore, #tpu.memory_space<semaphore_mem>>
      %dma_start3A = tpu.memref_slice %arg3[%arg0, %mul3A_12] : memref<2x10240xf32, #tpu.memory_space<hbm>> -> memref<1x640xf32, #tpu.memory_space<hbm>>
      %dma_start3A_18 = tpu.memref_squeeze %dma_start3A : memref<1x640xf32, #tpu.memory_space<hbm>> -> memref<640xf32, #tpu.memory_space<hbm>>
      %dma_start3A_19 = tpu.memref_slice %arg3[%arg0, %mul3A_12] : memref<2x10240xf32, #tpu.memory_space<hbm>> -> memref<1x640xf32, #tpu.memory_space<hbm>>
      %dma_start3A_20 = tpu.memref_squeeze %dma_start3A_19 : memref<1x640xf32, #tpu.memory_space<hbm>> -> memref<640xf32, #tpu.memory_space<hbm>>
      tpu.enqueue_dma source(%arg8 : memref<640xf32, #tpu.memory_space<vmem>>) target(%dma_start3A_20 : memref<640xf32, #tpu.memory_space<hbm>>) target_semaphore(%run_scoped3A : memref<!tpu.dma_semaphore, #tpu.memory_space<semaphore_mem>>)
      %dma_wait3A = tpu.memref_slice %arg3[%arg0, %mul3A_12] : memref<2x10240xf32, #tpu.memory_space<hbm>> -> memref<1x640xf32, #tpu.memory_space<hbm>>
      %dma_wait3A_21 = tpu.memref_squeeze %dma_wait3A : memref<1x640xf32, #tpu.memory_space<hbm>> -> memref<640xf32, #tpu.memory_space<hbm>>
      %dma_wait3A_22 = tpu.memref_slice %arg3[%arg0, %mul3A_12] : memref<2x10240xf32, #tpu.memory_space<hbm>> -> memref<1x640xf32, #tpu.memory_space<hbm>>
      %dma_wait3A_23 = tpu.memref_squeeze %dma_wait3A_22 : memref<1x640xf32, #tpu.memory_space<hbm>> -> memref<640xf32, #tpu.memory_space<hbm>>
      tpu.wait_dma2 semaphore(%run_scoped3A : memref<!tpu.dma_semaphore, #tpu.memory_space<semaphore_mem>>) src(%arg8 : memref<640xf32, #tpu.memory_space<vmem>>) dst(%dma_wait3A_23 : memref<640xf32, #tpu.memory_space<hbm>>)
      tpu.yield
    }) : () -> ()
    return
  }
}

#map = affine_map<(d0, d1) -> (0, 0, 0, 0)>
#map1 = affine_map<(d0, d1) -> (0, 0)>
#map2 = affine_map<(d0, d1) -> (0, 0, 0)>
module attributes {stable_mosaic.version = 14 : i64} {
  func.func @spmm_kernel(%arg0: i32, %arg1: i32, %arg2: memref<2x16x79x128xi32, #tpu.memory_space<hbm>>, %arg3: memref<2x16x79x128xi32, #tpu.memory_space<hbm>>, %arg4: memref<10240x128xf32, #tpu.memory_space<hbm>>, %arg5: memref<2x10240x128xf32, #tpu.memory_space<hbm>>, %arg6: memref<128xi32, #tpu.memory_space<vmem>>, %arg7: memref<128xi32, #tpu.memory_space<vmem>>, %arg8: memref<128x128xf32, #tpu.memory_space<vmem>>, %arg9: memref<10240x128xf32, #tpu.memory_space<vmem_shared>>, %arg10: memref<!tpu.dma_semaphore, #tpu.memory_space<semaphore_mem>>) attributes {dimension_semantics = [#tpu.dimension_semantics<core_parallel>, #tpu.dimension_semantics<subcore_parallel>], iteration_bounds = array<i64: 2, 16>, scalar_prefetch = 0 : i64, scratch_operands = 5 : i64, tpu.core_type = #tpu.core_type<sc_vector_subcore>, window_params = [{transform_indices = #map}, {transform_indices = #map}, {transform_indices = #map1}, {transform_indices = #map2}]} {
    %broadcast_in_dim3A = arith.constant 0.000000e+00 : f32
    %broadcast_in_dim3A_0 = vector.broadcast %broadcast_in_dim3A : f32 to vector<16xf32>
    %scan3A = arith.constant 0 : i32
    %scan3A_1 = arith.constant 128 : i32
    %scan3A_2 = arith.addi %scan3A, %scan3A_1 : i32
    %scan3A_3 = arith.constant 1 : i32
    scf.for %scan3A_21 = %scan3A to %scan3A_2 step %scan3A_3  : i32 {
      %mul3A = arith.constant 1 : i32
      %mul3A_22 = arith.muli %scan3A_21, %mul3A : i32
      %add3A = arith.constant 0 : i32
      %add3A_23 = arith.addi %add3A, %mul3A_22 : i32
      %scan3A_24 = arith.constant 0 : i32
      %scan3A_25 = arith.constant 8 : i32
      %scan3A_26 = arith.addi %scan3A_24, %scan3A_25 : i32
      %scan3A_27 = arith.constant 1 : i32
      scf.for %scan3A_29 = %scan3A_24 to %scan3A_26 step %scan3A_27  : i32 {
        %mul3A_30 = arith.constant 16 : i32
        %mul3A_31 = arith.muli %scan3A_29, %mul3A_30 : i32
        %add3A_32 = arith.constant 0 : i32
        %add3A_33 = arith.addi %add3A_32, %mul3A_31 : i32
        %swap3A = arith.index_cast %add3A_23 : i32 to index
        %swap3A_34 = arith.index_cast %add3A_33 : i32 to index
        %swap3A_35 = tpu.vector_load %arg8[%swap3A, %swap3A_34] {strides = array<i32>} : memref<128x128xf32, #tpu.memory_space<vmem>>, vector<16xf32>,
        tpu.vector_store %arg8[%swap3A, %swap3A_34], %broadcast_in_dim3A_0 {strides = array<i32>} : memref<128x128xf32, #tpu.memory_space<vmem>>, vector<16xf32>,
      }
      %scan3A_28 = arith.constant 8 : i32
    }
    %scan3A_4 = arith.constant 128 : i32
    %scan3A_5 = arith.constant 0 : i32
    %scan3A_6 = arith.constant 5 : i32
    %scan3A_7 = arith.addi %scan3A_5, %scan3A_6 : i32
    %scan3A_8 = arith.constant 1 : i32
    scf.for %scan3A_21 = %scan3A_5 to %scan3A_7 step %scan3A_8  : i32 {
      %mul3A = arith.constant 128 : i32
      %mul3A_22 = arith.muli %scan3A_21, %mul3A : i32
      %add3A = arith.constant 0 : i32
      %add3A_23 = arith.addi %add3A, %mul3A_22 : i32
      %mul3A_24 = arith.constant 640 : i32
      %mul3A_25 = arith.muli %arg1, %mul3A_24 : i32
      %add3A_26 = arith.addi %mul3A_25, %add3A_23 : i32
      "tpu.region"() ({
        %run_scoped3A = tpu.sem_alloc : memref<!tpu.dma_semaphore, #tpu.memory_space<semaphore_mem>>
        %dma_start3A = arith.constant 0 : i32
        %dma_start3A_27 = tpu.memref_slice %arg9[%add3A_26, %dma_start3A] : memref<10240x128xf32, #tpu.memory_space<vmem_shared>> -> memref<128x128xf32, #tpu.memory_space<vmem_shared>>
        %dma_start3A_28 = arith.constant 0 : i32
        %dma_start3A_29 = tpu.memref_slice %arg9[%add3A_26, %dma_start3A_28] : memref<10240x128xf32, #tpu.memory_space<vmem_shared>> -> memref<128x128xf32, #tpu.memory_space<vmem_shared>>
        tpu.enqueue_dma source(%arg8 : memref<128x128xf32, #tpu.memory_space<vmem>>) target(%dma_start3A_29 : memref<128x128xf32, #tpu.memory_space<vmem_shared>>) target_semaphore(%run_scoped3A : memref<!tpu.dma_semaphore, #tpu.memory_space<semaphore_mem>>)
        %dma_wait3A = arith.constant 0 : i32
        %dma_wait3A_30 = tpu.memref_slice %arg9[%add3A_26, %dma_wait3A] : memref<10240x128xf32, #tpu.memory_space<vmem_shared>> -> memref<128x128xf32, #tpu.memory_space<vmem_shared>>
        %dma_wait3A_31 = arith.constant 0 : i32
        %dma_wait3A_32 = tpu.memref_slice %arg9[%add3A_26, %dma_wait3A_31] : memref<10240x128xf32, #tpu.memory_space<vmem_shared>> -> memref<128x128xf32, #tpu.memory_space<vmem_shared>>
        tpu.wait_dma2 semaphore(%run_scoped3A : memref<!tpu.dma_semaphore, #tpu.memory_space<semaphore_mem>>) src(%arg8 : memref<128x128xf32, #tpu.memory_space<vmem>>) dst(%dma_wait3A_32 : memref<128x128xf32, #tpu.memory_space<vmem_shared>>)
        tpu.yield
      }) : () -> ()
    }
    %scan3A_9 = arith.constant 5 : i32
    %barrier3A = arith.constant 0 : index
    tpu.barrier barrier_id(%barrier3A)
    %scan3A_10 = arith.constant 0 : i32
    %scan3A_11 = arith.constant 79 : i32
    %scan3A_12 = arith.addi %scan3A_10, %scan3A_11 : i32
    %scan3A_13 = arith.constant 1 : i32
    scf.for %scan3A_21 = %scan3A_10 to %scan3A_12 step %scan3A_13  : i32 {
      %mul3A = arith.constant 1 : i32
      %mul3A_22 = arith.muli %scan3A_21, %mul3A : i32
      %add3A = arith.constant 0 : i32
      %add3A_23 = arith.addi %add3A, %mul3A_22 : i32
      "tpu.region"() ({
        %run_scoped3A = tpu.sem_alloc : memref<!tpu.dma_semaphore, #tpu.memory_space<semaphore_mem>>
        %dma_start3A_28 = arith.constant 0 : i32
        %dma_start3A_29 = tpu.memref_slice %arg2[%arg0, %arg1, %add3A_23, %dma_start3A_28] : memref<2x16x79x128xi32, #tpu.memory_space<hbm>> -> memref<1x1x1x128xi32, #tpu.memory_space<hbm>>
        %dma_start3A_30 = tpu.memref_squeeze %dma_start3A_29 : memref<1x1x1x128xi32, #tpu.memory_space<hbm>> -> memref<128xi32, #tpu.memory_space<hbm>>
        %dma_start3A_31 = arith.constant 0 : i32
        %dma_start3A_32 = tpu.memref_slice %arg2[%arg0, %arg1, %add3A_23, %dma_start3A_31] : memref<2x16x79x128xi32, #tpu.memory_space<hbm>> -> memref<1x1x1x128xi32, #tpu.memory_space<hbm>>
        %dma_start3A_33 = tpu.memref_squeeze %dma_start3A_32 : memref<1x1x1x128xi32, #tpu.memory_space<hbm>> -> memref<128xi32, #tpu.memory_space<hbm>>
        tpu.enqueue_dma source(%dma_start3A_33 : memref<128xi32, #tpu.memory_space<hbm>>) target(%arg6 : memref<128xi32, #tpu.memory_space<vmem>>) target_semaphore(%run_scoped3A : memref<!tpu.dma_semaphore, #tpu.memory_space<semaphore_mem>>)
        %dma_wait3A_34 = arith.constant 0 : i32
        %dma_wait3A_35 = tpu.memref_slice %arg2[%arg0, %arg1, %add3A_23, %dma_wait3A_34] : memref<2x16x79x128xi32, #tpu.memory_space<hbm>> -> memref<1x1x1x128xi32, #tpu.memory_space<hbm>>
        %dma_wait3A_36 = tpu.memref_squeeze %dma_wait3A_35 : memref<1x1x1x128xi32, #tpu.memory_space<hbm>> -> memref<128xi32, #tpu.memory_space<hbm>>
        %dma_wait3A_37 = arith.constant 0 : i32
        %dma_wait3A_38 = tpu.memref_slice %arg2[%arg0, %arg1, %add3A_23, %dma_wait3A_37] : memref<2x16x79x128xi32, #tpu.memory_space<hbm>> -> memref<1x1x1x128xi32, #tpu.memory_space<hbm>>
        %dma_wait3A_39 = tpu.memref_squeeze %dma_wait3A_38 : memref<1x1x1x128xi32, #tpu.memory_space<hbm>> -> memref<128xi32, #tpu.memory_space<hbm>>
        tpu.wait_dma2 semaphore(%run_scoped3A : memref<!tpu.dma_semaphore, #tpu.memory_space<semaphore_mem>>) src(%dma_wait3A_39 : memref<128xi32, #tpu.memory_space<hbm>>) dst(%arg6 : memref<128xi32, #tpu.memory_space<vmem>>)
        tpu.yield
      }) : () -> ()
      "tpu.region"() ({
        %run_scoped3A = tpu.sem_alloc : memref<!tpu.dma_semaphore, #tpu.memory_space<semaphore_mem>>
        %dma_start3A_28 = arith.constant 0 : i32
        %dma_start3A_29 = tpu.memref_slice %arg3[%arg0, %arg1, %add3A_23, %dma_start3A_28] : memref<2x16x79x128xi32, #tpu.memory_space<hbm>> -> memref<1x1x1x128xi32, #tpu.memory_space<hbm>>
        %dma_start3A_30 = tpu.memref_squeeze %dma_start3A_29 : memref<1x1x1x128xi32, #tpu.memory_space<hbm>> -> memref<128xi32, #tpu.memory_space<hbm>>
        %dma_start3A_31 = arith.constant 0 : i32
        %dma_start3A_32 = tpu.memref_slice %arg3[%arg0, %arg1, %add3A_23, %dma_start3A_31] : memref<2x16x79x128xi32, #tpu.memory_space<hbm>> -> memref<1x1x1x128xi32, #tpu.memory_space<hbm>>
        %dma_start3A_33 = tpu.memref_squeeze %dma_start3A_32 : memref<1x1x1x128xi32, #tpu.memory_space<hbm>> -> memref<128xi32, #tpu.memory_space<hbm>>
        tpu.enqueue_dma source(%dma_start3A_33 : memref<128xi32, #tpu.memory_space<hbm>>) target(%arg7 : memref<128xi32, #tpu.memory_space<vmem>>) target_semaphore(%run_scoped3A : memref<!tpu.dma_semaphore, #tpu.memory_space<semaphore_mem>>)
        %dma_wait3A_34 = arith.constant 0 : i32
        %dma_wait3A_35 = tpu.memref_slice %arg3[%arg0, %arg1, %add3A_23, %dma_wait3A_34] : memref<2x16x79x128xi32, #tpu.memory_space<hbm>> -> memref<1x1x1x128xi32, #tpu.memory_space<hbm>>
        %dma_wait3A_36 = tpu.memref_squeeze %dma_wait3A_35 : memref<1x1x1x128xi32, #tpu.memory_space<hbm>> -> memref<128xi32, #tpu.memory_space<hbm>>
        %dma_wait3A_37 = arith.constant 0 : i32
        %dma_wait3A_38 = tpu.memref_slice %arg3[%arg0, %arg1, %add3A_23, %dma_wait3A_37] : memref<2x16x79x128xi32, #tpu.memory_space<hbm>> -> memref<1x1x1x128xi32, #tpu.memory_space<hbm>>
        %dma_wait3A_39 = tpu.memref_squeeze %dma_wait3A_38 : memref<1x1x1x128xi32, #tpu.memory_space<hbm>> -> memref<128xi32, #tpu.memory_space<hbm>>
        tpu.wait_dma2 semaphore(%run_scoped3A : memref<!tpu.dma_semaphore, #tpu.memory_space<semaphore_mem>>) src(%dma_wait3A_39 : memref<128xi32, #tpu.memory_space<hbm>>) dst(%arg7 : memref<128xi32, #tpu.memory_space<vmem>>)
        tpu.yield
      }) : () -> ()
      %dma_start3A = arith.constant 0 : i32
      %dma_start3A_24 = arith.constant 0 : i32
      %dma_start3A_25 = tpu.memref_slice %arg4[%dma_start3A, %dma_start3A_24] : memref<10240x128xf32, #tpu.memory_space<hbm>> -> memref<10240x128xf32, #tpu.memory_space<hbm>>
      tpu.enqueue_indirect_dma source(%dma_start3A_25 : memref<10240x128xf32, #tpu.memory_space<hbm>>) target(%arg8 : memref<128x128xf32, #tpu.memory_space<vmem>>) offsets(%arg6 : memref<128xi32, #tpu.memory_space<vmem>>) semaphore(%arg10 : memref<!tpu.dma_semaphore, #tpu.memory_space<semaphore_mem>>)
      %dma_wait3A = arith.constant 0 : i32
      %dma_wait3A_26 = arith.constant 0 : i32
      %dma_wait3A_27 = tpu.memref_slice %arg4[%dma_wait3A, %dma_wait3A_26] : memref<10240x128xf32, #tpu.memory_space<hbm>> -> memref<10240x128xf32, #tpu.memory_space<hbm>>
      tpu.wait_indirect_dma semaphore(%arg10 : memref<!tpu.dma_semaphore, #tpu.memory_space<semaphore_mem>>) src(%dma_wait3A_27 : memref<10240x128xf32, #tpu.memory_space<hbm>>) dst(%arg8 : memref<128x128xf32, #tpu.memory_space<vmem>>)
      "tpu.region"() ({
        %run_scoped3A = tpu.sem_alloc : memref<!tpu.dma_semaphore, #tpu.memory_space<semaphore_mem>>
        %dma_start3A_28 = arith.constant 0 : i32
        %dma_start3A_29 = arith.constant 0 : i32
        %dma_start3A_30 = tpu.memref_slice %arg9[%dma_start3A_28, %dma_start3A_29] : memref<10240x128xf32, #tpu.memory_space<vmem_shared>> -> memref<10240x128xf32, #tpu.memory_space<vmem_shared>>
        tpu.enqueue_indirect_dma source(%arg8 : memref<128x128xf32, #tpu.memory_space<vmem>>) target(%dma_start3A_30 : memref<10240x128xf32, #tpu.memory_space<vmem_shared>>) offsets(%arg7 : memref<128xi32, #tpu.memory_space<vmem>>) semaphore(%run_scoped3A : memref<!tpu.dma_semaphore, #tpu.memory_space<semaphore_mem>>) {add = true}
        %dma_wait3A_31 = arith.constant 0 : i32
        %dma_wait3A_32 = arith.constant 0 : i32
        %dma_wait3A_33 = tpu.memref_slice %arg9[%dma_wait3A_31, %dma_wait3A_32] : memref<10240x128xf32, #tpu.memory_space<vmem_shared>> -> memref<10240x128xf32, #tpu.memory_space<vmem_shared>>
        tpu.wait_indirect_dma semaphore(%run_scoped3A : memref<!tpu.dma_semaphore, #tpu.memory_space<semaphore_mem>>) src(%arg8 : memref<128x128xf32, #tpu.memory_space<vmem>>) dst(%dma_wait3A_33 : memref<10240x128xf32, #tpu.memory_space<vmem_shared>>)
        tpu.yield
      }) : () -> ()
    }
    %scan3A_14 = arith.constant 79 : i32
    %barrier3A_15 = arith.constant 0 : index
    tpu.barrier barrier_id(%barrier3A_15)
    %scan3A_16 = arith.constant 0 : i32
    %scan3A_17 = arith.constant 5 : i32
    %scan3A_18 = arith.addi %scan3A_16, %scan3A_17 : i32
    %scan3A_19 = arith.constant 1 : i32
    scf.for %scan3A_21 = %scan3A_16 to %scan3A_18 step %scan3A_19  : i32 {
      %mul3A = arith.constant 128 : i32
      %mul3A_22 = arith.muli %scan3A_21, %mul3A : i32
      %add3A = arith.constant 0 : i32
      %add3A_23 = arith.addi %add3A, %mul3A_22 : i32
      %mul3A_24 = arith.constant 640 : i32
      %mul3A_25 = arith.muli %arg1, %mul3A_24 : i32
      %add3A_26 = arith.addi %mul3A_25, %add3A_23 : i32
      "tpu.region"() ({
        %run_scoped3A = tpu.sem_alloc : memref<!tpu.dma_semaphore, #tpu.memory_space<semaphore_mem>>
        %dma_start3A = arith.constant 0 : i32
        %dma_start3A_30 = tpu.memref_slice %arg9[%add3A_26, %dma_start3A] : memref<10240x128xf32, #tpu.memory_space<vmem_shared>> -> memref<128x128xf32, #tpu.memory_space<vmem_shared>>
        %dma_start3A_31 = arith.constant 0 : i32
        %dma_start3A_32 = tpu.memref_slice %arg9[%add3A_26, %dma_start3A_31] : memref<10240x128xf32, #tpu.memory_space<vmem_shared>> -> memref<128x128xf32, #tpu.memory_space<vmem_shared>>
        tpu.enqueue_dma source(%dma_start3A_32 : memref<128x128xf32, #tpu.memory_space<vmem_shared>>) target(%arg8 : memref<128x128xf32, #tpu.memory_space<vmem>>) target_semaphore(%run_scoped3A : memref<!tpu.dma_semaphore, #tpu.memory_space<semaphore_mem>>)
        %dma_wait3A = arith.constant 0 : i32
        %dma_wait3A_33 = tpu.memref_slice %arg9[%add3A_26, %dma_wait3A] : memref<10240x128xf32, #tpu.memory_space<vmem_shared>> -> memref<128x128xf32, #tpu.memory_space<vmem_shared>>
        %dma_wait3A_34 = arith.constant 0 : i32
        %dma_wait3A_35 = tpu.memref_slice %arg9[%add3A_26, %dma_wait3A_34] : memref<10240x128xf32, #tpu.memory_space<vmem_shared>> -> memref<128x128xf32, #tpu.memory_space<vmem_shared>>
        tpu.wait_dma2 semaphore(%run_scoped3A : memref<!tpu.dma_semaphore, #tpu.memory_space<semaphore_mem>>) src(%dma_wait3A_35 : memref<128x128xf32, #tpu.memory_space<vmem_shared>>) dst(%arg8 : memref<128x128xf32, #tpu.memory_space<vmem>>)
        tpu.yield
      }) : () -> ()
      %mul3A_27 = arith.constant 640 : i32
      %mul3A_28 = arith.muli %arg1, %mul3A_27 : i32
      %add3A_29 = arith.addi %mul3A_28, %add3A_23 : i32
      "tpu.region"() ({
        %run_scoped3A = tpu.sem_alloc : memref<!tpu.dma_semaphore, #tpu.memory_space<semaphore_mem>>
        %dma_start3A = arith.constant 0 : i32
        %dma_start3A_30 = tpu.memref_slice %arg5[%arg0, %add3A_29, %dma_start3A] : memref<2x10240x128xf32, #tpu.memory_space<hbm>> -> memref<1x128x128xf32, #tpu.memory_space<hbm>>
        %dma_start3A_31 = tpu.memref_squeeze %dma_start3A_30 : memref<1x128x128xf32, #tpu.memory_space<hbm>> -> memref<128x128xf32, #tpu.memory_space<hbm>>
        %dma_start3A_32 = arith.constant 0 : i32
        %dma_start3A_33 = tpu.memref_slice %arg5[%arg0, %add3A_29, %dma_start3A_32] : memref<2x10240x128xf32, #tpu.memory_space<hbm>> -> memref<1x128x128xf32, #tpu.memory_space<hbm>>
        %dma_start3A_34 = tpu.memref_squeeze %dma_start3A_33 : memref<1x128x128xf32, #tpu.memory_space<hbm>> -> memref<128x128xf32, #tpu.memory_space<hbm>>
        tpu.enqueue_dma source(%arg8 : memref<128x128xf32, #tpu.memory_space<vmem>>) target(%dma_start3A_34 : memref<128x128xf32, #tpu.memory_space<hbm>>) target_semaphore(%run_scoped3A : memref<!tpu.dma_semaphore, #tpu.memory_space<semaphore_mem>>)
        %dma_wait3A = arith.constant 0 : i32
        %dma_wait3A_35 = tpu.memref_slice %arg5[%arg0, %add3A_29, %dma_wait3A] : memref<2x10240x128xf32, #tpu.memory_space<hbm>> -> memref<1x128x128xf32, #tpu.memory_space<hbm>>
        %dma_wait3A_36 = tpu.memref_squeeze %dma_wait3A_35 : memref<1x128x128xf32, #tpu.memory_space<hbm>> -> memref<128x128xf32, #tpu.memory_space<hbm>>
        %dma_wait3A_37 = arith.constant 0 : i32
        %dma_wait3A_38 = tpu.memref_slice %arg5[%arg0, %add3A_29, %dma_wait3A_37] : memref<2x10240x128xf32, #tpu.memory_space<hbm>> -> memref<1x128x128xf32, #tpu.memory_space<hbm>>
        %dma_wait3A_39 = tpu.memref_squeeze %dma_wait3A_38 : memref<1x128x128xf32, #tpu.memory_space<hbm>> -> memref<128x128xf32, #tpu.memory_space<hbm>>
        tpu.wait_dma2 semaphore(%run_scoped3A : memref<!tpu.dma_semaphore, #tpu.memory_space<semaphore_mem>>) src(%arg8 : memref<128x128xf32, #tpu.memory_space<vmem>>) dst(%dma_wait3A_39 : memref<128x128xf32, #tpu.memory_space<hbm>>)
        tpu.yield
      }) : () -> ()
    }
    %scan3A_20 = arith.constant 5 : i32
    return
  }
}

#map = affine_map<(d0, d1) -> (0, 0, 0, 0)>
#map1 = affine_map<(d0, d1) -> (0, 0)>
#map2 = affine_map<(d0, d1) -> (0, 0, 0)>
module attributes {stable_mosaic.version = 14 : i64} {
  func.func @spmm_kernel(%arg0: i32, %arg1: i32, %arg2: memref<2x16x79x128xi32, #tpu.memory_space<hbm>>, %arg3: memref<2x16x79x128xi32, #tpu.memory_space<hbm>>, %arg4: memref<10240x128xf32, #tpu.memory_space<hbm>>, %arg5: memref<2x10240x128xf32, #tpu.memory_space<hbm>>, %arg6: memref<128xi32, #tpu.memory_space<vmem>>, %arg7: memref<128xi32, #tpu.memory_space<vmem>>, %arg8: memref<128x128xf32, #tpu.memory_space<vmem>>, %arg9: memref<10240x128xf32, #tpu.memory_space<vmem_shared>>, %arg10: memref<!tpu.dma_semaphore, #tpu.memory_space<semaphore_mem>>) attributes {dimension_semantics = [#tpu.dimension_semantics<core_parallel>, #tpu.dimension_semantics<subcore_parallel>], iteration_bounds = array<i64: 2, 16>, scalar_prefetch = 0 : i64, scratch_operands = 5 : i64, tpu.core_type = #tpu.core_type<sc_vector_subcore>, window_params = [{transform_indices = #map}, {transform_indices = #map}, {transform_indices = #map1}, {transform_indices = #map2}]} {
    %broadcast_in_dim3A = arith.constant 0.000000e+00 : f32
    %broadcast_in_dim3A_0 = vector.broadcast %broadcast_in_dim3A : f32 to vector<16xf32>
    %scan3A = arith.constant 0 : i32
    %scan3A_1 = arith.constant 128 : i32
    %scan3A_2 = arith.addi %scan3A, %scan3A_1 : i32
    %scan3A_3 = arith.constant 1 : i32
    scf.for %scan3A_21 = %scan3A to %scan3A_2 step %scan3A_3  : i32 {
      %mul3A = arith.constant 1 : i32
      %mul3A_22 = arith.muli %scan3A_21, %mul3A : i32
      %add3A = arith.constant 0 : i32
      %add3A_23 = arith.addi %add3A, %mul3A_22 : i32
      %scan3A_24 = arith.constant 0 : i32
      %scan3A_25 = arith.constant 8 : i32
      %scan3A_26 = arith.addi %scan3A_24, %scan3A_25 : i32
      %scan3A_27 = arith.constant 1 : i32
      scf.for %scan3A_29 = %scan3A_24 to %scan3A_26 step %scan3A_27  : i32 {
        %mul3A_30 = arith.constant 16 : i32
        %mul3A_31 = arith.muli %scan3A_29, %mul3A_30 : i32
        %add3A_32 = arith.constant 0 : i32
        %add3A_33 = arith.addi %add3A_32, %mul3A_31 : i32
        %swap3A = arith.index_cast %add3A_23 : i32 to index
        %swap3A_34 = arith.index_cast %add3A_33 : i32 to index
        %swap3A_35 = tpu.vector_load %arg8[%swap3A, %swap3A_34] {strides = array<i32>} : memref<128x128xf32, #tpu.memory_space<vmem>>, vector<16xf32>,
        tpu.vector_store %arg8[%swap3A, %swap3A_34], %broadcast_in_dim3A_0 {strides = array<i32>} : memref<128x128xf32, #tpu.memory_space<vmem>>, vector<16xf32>,
      }
      %scan3A_28 = arith.constant 8 : i32
    }
    %scan3A_4 = arith.constant 128 : i32
    %scan3A_5 = arith.constant 0 : i32
    %scan3A_6 = arith.constant 5 : i32
    %scan3A_7 = arith.addi %scan3A_5, %scan3A_6 : i32
    %scan3A_8 = arith.constant 1 : i32
    scf.for %scan3A_21 = %scan3A_5 to %scan3A_7 step %scan3A_8  : i32 {
      %mul3A = arith.constant 128 : i32
      %mul3A_22 = arith.muli %scan3A_21, %mul3A : i32
      %add3A = arith.constant 0 : i32
      %add3A_23 = arith.addi %add3A, %mul3A_22 : i32
      %mul3A_24 = arith.constant 640 : i32
      %mul3A_25 = arith.muli %arg1, %mul3A_24 : i32
      %add3A_26 = arith.addi %mul3A_25, %add3A_23 : i32
      "tpu.region"() ({
        %run_scoped3A = tpu.sem_alloc : memref<!tpu.dma_semaphore, #tpu.memory_space<semaphore_mem>>
        %dma_start3A = arith.constant 0 : i32
        %dma_start3A_27 = tpu.memref_slice %arg9[%add3A_26, %dma_start3A] : memref<10240x128xf32, #tpu.memory_space<vmem_shared>> -> memref<128x128xf32, #tpu.memory_space<vmem_shared>>
        %dma_start3A_28 = arith.constant 0 : i32
        %dma_start3A_29 = tpu.memref_slice %arg9[%add3A_26, %dma_start3A_28] : memref<10240x128xf32, #tpu.memory_space<vmem_shared>> -> memref<128x128xf32, #tpu.memory_space<vmem_shared>>
        tpu.enqueue_dma source(%arg8 : memref<128x128xf32, #tpu.memory_space<vmem>>) target(%dma_start3A_29 : memref<128x128xf32, #tpu.memory_space<vmem_shared>>) target_semaphore(%run_scoped3A : memref<!tpu.dma_semaphore, #tpu.memory_space<semaphore_mem>>)
        %dma_wait3A = arith.constant 0 : i32
        %dma_wait3A_30 = tpu.memref_slice %arg9[%add3A_26, %dma_wait3A] : memref<10240x128xf32, #tpu.memory_space<vmem_shared>> -> memref<128x128xf32, #tpu.memory_space<vmem_shared>>
        %dma_wait3A_31 = arith.constant 0 : i32
        %dma_wait3A_32 = tpu.memref_slice %arg9[%add3A_26, %dma_wait3A_31] : memref<10240x128xf32, #tpu.memory_space<vmem_shared>> -> memref<128x128xf32, #tpu.memory_space<vmem_shared>>
        tpu.wait_dma2 semaphore(%run_scoped3A : memref<!tpu.dma_semaphore, #tpu.memory_space<semaphore_mem>>) src(%arg8 : memref<128x128xf32, #tpu.memory_space<vmem>>) dst(%dma_wait3A_32 : memref<128x128xf32, #tpu.memory_space<vmem_shared>>)
        tpu.yield
      }) : () -> ()
    }
    %scan3A_9 = arith.constant 5 : i32
    %barrier3A = arith.constant 0 : index
    tpu.barrier barrier_id(%barrier3A)
    %scan3A_10 = arith.constant 0 : i32
    %scan3A_11 = arith.constant 79 : i32
    %scan3A_12 = arith.addi %scan3A_10, %scan3A_11 : i32
    %scan3A_13 = arith.constant 1 : i32
    scf.for %scan3A_21 = %scan3A_10 to %scan3A_12 step %scan3A_13  : i32 {
      %mul3A = arith.constant 1 : i32
      %mul3A_22 = arith.muli %scan3A_21, %mul3A : i32
      %add3A = arith.constant 0 : i32
      %add3A_23 = arith.addi %add3A, %mul3A_22 : i32
      "tpu.region"() ({
        %run_scoped3A = tpu.sem_alloc : memref<!tpu.dma_semaphore, #tpu.memory_space<semaphore_mem>>
        %dma_start3A_28 = arith.constant 0 : i32
        %dma_start3A_29 = tpu.memref_slice %arg2[%arg0, %arg1, %add3A_23, %dma_start3A_28] : memref<2x16x79x128xi32, #tpu.memory_space<hbm>> -> memref<1x1x1x128xi32, #tpu.memory_space<hbm>>
        %dma_start3A_30 = tpu.memref_squeeze %dma_start3A_29 : memref<1x1x1x128xi32, #tpu.memory_space<hbm>> -> memref<128xi32, #tpu.memory_space<hbm>>
        %dma_start3A_31 = arith.constant 0 : i32
        %dma_start3A_32 = tpu.memref_slice %arg2[%arg0, %arg1, %add3A_23, %dma_start3A_31] : memref<2x16x79x128xi32, #tpu.memory_space<hbm>> -> memref<1x1x1x128xi32, #tpu.memory_space<hbm>>
        %dma_start3A_33 = tpu.memref_squeeze %dma_start3A_32 : memref<1x1x1x128xi32, #tpu.memory_space<hbm>> -> memref<128xi32, #tpu.memory_space<hbm>>
        tpu.enqueue_dma source(%dma_start3A_33 : memref<128xi32, #tpu.memory_space<hbm>>) target(%arg6 : memref<128xi32, #tpu.memory_space<vmem>>) target_semaphore(%run_scoped3A : memref<!tpu.dma_semaphore, #tpu.memory_space<semaphore_mem>>)
        %dma_wait3A_34 = arith.constant 0 : i32
        %dma_wait3A_35 = tpu.memref_slice %arg2[%arg0, %arg1, %add3A_23, %dma_wait3A_34] : memref<2x16x79x128xi32, #tpu.memory_space<hbm>> -> memref<1x1x1x128xi32, #tpu.memory_space<hbm>>
        %dma_wait3A_36 = tpu.memref_squeeze %dma_wait3A_35 : memref<1x1x1x128xi32, #tpu.memory_space<hbm>> -> memref<128xi32, #tpu.memory_space<hbm>>
        %dma_wait3A_37 = arith.constant 0 : i32
        %dma_wait3A_38 = tpu.memref_slice %arg2[%arg0, %arg1, %add3A_23, %dma_wait3A_37] : memref<2x16x79x128xi32, #tpu.memory_space<hbm>> -> memref<1x1x1x128xi32, #tpu.memory_space<hbm>>
        %dma_wait3A_39 = tpu.memref_squeeze %dma_wait3A_38 : memref<1x1x1x128xi32, #tpu.memory_space<hbm>> -> memref<128xi32, #tpu.memory_space<hbm>>
        tpu.wait_dma2 semaphore(%run_scoped3A : memref<!tpu.dma_semaphore, #tpu.memory_space<semaphore_mem>>) src(%dma_wait3A_39 : memref<128xi32, #tpu.memory_space<hbm>>) dst(%arg6 : memref<128xi32, #tpu.memory_space<vmem>>)
        tpu.yield
      }) : () -> ()
      "tpu.region"() ({
        %run_scoped3A = tpu.sem_alloc : memref<!tpu.dma_semaphore, #tpu.memory_space<semaphore_mem>>
        %dma_start3A_28 = arith.constant 0 : i32
        %dma_start3A_29 = tpu.memref_slice %arg3[%arg0, %arg1, %add3A_23, %dma_start3A_28] : memref<2x16x79x128xi32, #tpu.memory_space<hbm>> -> memref<1x1x1x128xi32, #tpu.memory_space<hbm>>
        %dma_start3A_30 = tpu.memref_squeeze %dma_start3A_29 : memref<1x1x1x128xi32, #tpu.memory_space<hbm>> -> memref<128xi32, #tpu.memory_space<hbm>>
        %dma_start3A_31 = arith.constant 0 : i32
        %dma_start3A_32 = tpu.memref_slice %arg3[%arg0, %arg1, %add3A_23, %dma_start3A_31] : memref<2x16x79x128xi32, #tpu.memory_space<hbm>> -> memref<1x1x1x128xi32, #tpu.memory_space<hbm>>
        %dma_start3A_33 = tpu.memref_squeeze %dma_start3A_32 : memref<1x1x1x128xi32, #tpu.memory_space<hbm>> -> memref<128xi32, #tpu.memory_space<hbm>>
        tpu.enqueue_dma source(%dma_start3A_33 : memref<128xi32, #tpu.memory_space<hbm>>) target(%arg7 : memref<128xi32, #tpu.memory_space<vmem>>) target_semaphore(%run_scoped3A : memref<!tpu.dma_semaphore, #tpu.memory_space<semaphore_mem>>)
        %dma_wait3A_34 = arith.constant 0 : i32
        %dma_wait3A_35 = tpu.memref_slice %arg3[%arg0, %arg1, %add3A_23, %dma_wait3A_34] : memref<2x16x79x128xi32, #tpu.memory_space<hbm>> -> memref<1x1x1x128xi32, #tpu.memory_space<hbm>>
        %dma_wait3A_36 = tpu.memref_squeeze %dma_wait3A_35 : memref<1x1x1x128xi32, #tpu.memory_space<hbm>> -> memref<128xi32, #tpu.memory_space<hbm>>
        %dma_wait3A_37 = arith.constant 0 : i32
        %dma_wait3A_38 = tpu.memref_slice %arg3[%arg0, %arg1, %add3A_23, %dma_wait3A_37] : memref<2x16x79x128xi32, #tpu.memory_space<hbm>> -> memref<1x1x1x128xi32, #tpu.memory_space<hbm>>
        %dma_wait3A_39 = tpu.memref_squeeze %dma_wait3A_38 : memref<1x1x1x128xi32, #tpu.memory_space<hbm>> -> memref<128xi32, #tpu.memory_space<hbm>>
        tpu.wait_dma2 semaphore(%run_scoped3A : memref<!tpu.dma_semaphore, #tpu.memory_space<semaphore_mem>>) src(%dma_wait3A_39 : memref<128xi32, #tpu.memory_space<hbm>>) dst(%arg7 : memref<128xi32, #tpu.memory_space<vmem>>)
        tpu.yield
      }) : () -> ()
      %dma_start3A = arith.constant 0 : i32
      %dma_start3A_24 = arith.constant 0 : i32
      %dma_start3A_25 = tpu.memref_slice %arg4[%dma_start3A, %dma_start3A_24] : memref<10240x128xf32, #tpu.memory_space<hbm>> -> memref<10240x128xf32, #tpu.memory_space<hbm>>
      tpu.enqueue_indirect_dma source(%dma_start3A_25 : memref<10240x128xf32, #tpu.memory_space<hbm>>) target(%arg8 : memref<128x128xf32, #tpu.memory_space<vmem>>) offsets(%arg6 : memref<128xi32, #tpu.memory_space<vmem>>) semaphore(%arg10 : memref<!tpu.dma_semaphore, #tpu.memory_space<semaphore_mem>>)
      %dma_wait3A = arith.constant 0 : i32
      %dma_wait3A_26 = arith.constant 0 : i32
      %dma_wait3A_27 = tpu.memref_slice %arg4[%dma_wait3A, %dma_wait3A_26] : memref<10240x128xf32, #tpu.memory_space<hbm>> -> memref<10240x128xf32, #tpu.memory_space<hbm>>
      tpu.wait_indirect_dma semaphore(%arg10 : memref<!tpu.dma_semaphore, #tpu.memory_space<semaphore_mem>>) src(%dma_wait3A_27 : memref<10240x128xf32, #tpu.memory_space<hbm>>) dst(%arg8 : memref<128x128xf32, #tpu.memory_space<vmem>>)
      "tpu.region"() ({
        %run_scoped3A = tpu.sem_alloc : memref<!tpu.dma_semaphore, #tpu.memory_space<semaphore_mem>>
        %dma_start3A_28 = arith.constant 0 : i32
        %dma_start3A_29 = arith.constant 0 : i32
        %dma_start3A_30 = tpu.memref_slice %arg9[%dma_start3A_28, %dma_start3A_29] : memref<10240x128xf32, #tpu.memory_space<vmem_shared>> -> memref<10240x128xf32, #tpu.memory_space<vmem_shared>>
        tpu.enqueue_indirect_dma source(%arg8 : memref<128x128xf32, #tpu.memory_space<vmem>>) target(%dma_start3A_30 : memref<10240x128xf32, #tpu.memory_space<vmem_shared>>) offsets(%arg7 : memref<128xi32, #tpu.memory_space<vmem>>) semaphore(%run_scoped3A : memref<!tpu.dma_semaphore, #tpu.memory_space<semaphore_mem>>) {add = true}
        %dma_wait3A_31 = arith.constant 0 : i32
        %dma_wait3A_32 = arith.constant 0 : i32
        %dma_wait3A_33 = tpu.memref_slice %arg9[%dma_wait3A_31, %dma_wait3A_32] : memref<10240x128xf32, #tpu.memory_space<vmem_shared>> -> memref<10240x128xf32, #tpu.memory_space<vmem_shared>>
        tpu.wait_indirect_dma semaphore(%run_scoped3A : memref<!tpu.dma_semaphore, #tpu.memory_space<semaphore_mem>>) src(%arg8 : memref<128x128xf32, #tpu.memory_space<vmem>>) dst(%dma_wait3A_33 : memref<10240x128xf32, #tpu.memory_space<vmem_shared>>)
        tpu.yield
      }) : () -> ()
    }
    %scan3A_14 = arith.constant 79 : i32
    %barrier3A_15 = arith.constant 0 : index
    tpu.barrier barrier_id(%barrier3A_15)
    %scan3A_16 = arith.constant 0 : i32
    %scan3A_17 = arith.constant 5 : i32
    %scan3A_18 = arith.addi %scan3A_16, %scan3A_17 : i32
    %scan3A_19 = arith.constant 1 : i32
    scf.for %scan3A_21 = %scan3A_16 to %scan3A_18 step %scan3A_19  : i32 {
      %mul3A = arith.constant 128 : i32
      %mul3A_22 = arith.muli %scan3A_21, %mul3A : i32
      %add3A = arith.constant 0 : i32
      %add3A_23 = arith.addi %add3A, %mul3A_22 : i32
      %mul3A_24 = arith.constant 640 : i32
      %mul3A_25 = arith.muli %arg1, %mul3A_24 : i32
      %add3A_26 = arith.addi %mul3A_25, %add3A_23 : i32
      "tpu.region"() ({
        %run_scoped3A = tpu.sem_alloc : memref<!tpu.dma_semaphore, #tpu.memory_space<semaphore_mem>>
        %dma_start3A = arith.constant 0 : i32
        %dma_start3A_30 = tpu.memref_slice %arg9[%add3A_26, %dma_start3A] : memref<10240x128xf32, #tpu.memory_space<vmem_shared>> -> memref<128x128xf32, #tpu.memory_space<vmem_shared>>
        %dma_start3A_31 = arith.constant 0 : i32
        %dma_start3A_32 = tpu.memref_slice %arg9[%add3A_26, %dma_start3A_31] : memref<10240x128xf32, #tpu.memory_space<vmem_shared>> -> memref<128x128xf32, #tpu.memory_space<vmem_shared>>
        tpu.enqueue_dma source(%dma_start3A_32 : memref<128x128xf32, #tpu.memory_space<vmem_shared>>) target(%arg8 : memref<128x128xf32, #tpu.memory_space<vmem>>) target_semaphore(%run_scoped3A : memref<!tpu.dma_semaphore, #tpu.memory_space<semaphore_mem>>)
        %dma_wait3A = arith.constant 0 : i32
        %dma_wait3A_33 = tpu.memref_slice %arg9[%add3A_26, %dma_wait3A] : memref<10240x128xf32, #tpu.memory_space<vmem_shared>> -> memref<128x128xf32, #tpu.memory_space<vmem_shared>>
        %dma_wait3A_34 = arith.constant 0 : i32
        %dma_wait3A_35 = tpu.memref_slice %arg9[%add3A_26, %dma_wait3A_34] : memref<10240x128xf32, #tpu.memory_space<vmem_shared>> -> memref<128x128xf32, #tpu.memory_space<vmem_shared>>
        tpu.wait_dma2 semaphore(%run_scoped3A : memref<!tpu.dma_semaphore, #tpu.memory_space<semaphore_mem>>) src(%dma_wait3A_35 : memref<128x128xf32, #tpu.memory_space<vmem_shared>>) dst(%arg8 : memref<128x128xf32, #tpu.memory_space<vmem>>)
        tpu.yield
      }) : () -> ()
      %mul3A_27 = arith.constant 640 : i32
      %mul3A_28 = arith.muli %arg1, %mul3A_27 : i32
      %add3A_29 = arith.addi %mul3A_28, %add3A_23 : i32
      "tpu.region"() ({
        %run_scoped3A = tpu.sem_alloc : memref<!tpu.dma_semaphore, #tpu.memory_space<semaphore_mem>>
        %dma_start3A = arith.constant 0 : i32
        %dma_start3A_30 = tpu.memref_slice %arg5[%arg0, %add3A_29, %dma_start3A] : memref<2x10240x128xf32, #tpu.memory_space<hbm>> -> memref<1x128x128xf32, #tpu.memory_space<hbm>>
        %dma_start3A_31 = tpu.memref_squeeze %dma_start3A_30 : memref<1x128x128xf32, #tpu.memory_space<hbm>> -> memref<128x128xf32, #tpu.memory_space<hbm>>
        %dma_start3A_32 = arith.constant 0 : i32
        %dma_start3A_33 = tpu.memref_slice %arg5[%arg0, %add3A_29, %dma_start3A_32] : memref<2x10240x128xf32, #tpu.memory_space<hbm>> -> memref<1x128x128xf32, #tpu.memory_space<hbm>>
        %dma_start3A_34 = tpu.memref_squeeze %dma_start3A_33 : memref<1x128x128xf32, #tpu.memory_space<hbm>> -> memref<128x128xf32, #tpu.memory_space<hbm>>
        tpu.enqueue_dma source(%arg8 : memref<128x128xf32, #tpu.memory_space<vmem>>) target(%dma_start3A_34 : memref<128x128xf32, #tpu.memory_space<hbm>>) target_semaphore(%run_scoped3A : memref<!tpu.dma_semaphore, #tpu.memory_space<semaphore_mem>>)
        %dma_wait3A = arith.constant 0 : i32
        %dma_wait3A_35 = tpu.memref_slice %arg5[%arg0, %add3A_29, %dma_wait3A] : memref<2x10240x128xf32, #tpu.memory_space<hbm>> -> memref<1x128x128xf32, #tpu.memory_space<hbm>>
        %dma_wait3A_36 = tpu.memref_squeeze %dma_wait3A_35 : memref<1x128x128xf32, #tpu.memory_space<hbm>> -> memref<128x128xf32, #tpu.memory_space<hbm>>
        %dma_wait3A_37 = arith.constant 0 : i32
        %dma_wait3A_38 = tpu.memref_slice %arg5[%arg0, %add3A_29, %dma_wait3A_37] : memref<2x10240x128xf32, #tpu.memory_space<hbm>> -> memref<1x128x128xf32, #tpu.memory_space<hbm>>
        %dma_wait3A_39 = tpu.memref_squeeze %dma_wait3A_38 : memref<1x128x128xf32, #tpu.memory_space<hbm>> -> memref<128x128xf32, #tpu.memory_space<hbm>>
        tpu.wait_dma2 semaphore(%run_scoped3A : memref<!tpu.dma_semaphore, #tpu.memory_space<semaphore_mem>>) src(%arg8 : memref<128x128xf32, #tpu.memory_space<vmem>>) dst(%dma_wait3A_39 : memref<128x128xf32, #tpu.memory_space<hbm>>)
        tpu.yield
      }) : () -> ()
    }
    %scan3A_20 = arith.constant 5 : i32
    return
  }
}

module attributes {stable_mosaic.version = 14 : i64} {
  func.func @body(%arg0: i32, %arg1: memref<2048x128xf32, #tpu.memory_space<vmem>>, %arg2: memref<2048x2xf32, #tpu.memory_space<vmem>>, %arg3: memref<2048x128xf32, #tpu.memory_space<vmem>>, %arg4: memref<2048x1xf32, #tpu.memory_space<vmem>>) attributes {dimension_semantics = [#tpu.dimension_semantics<arbitrary>], iteration_bounds = array<i64: 5>, scalar_prefetch = 0 : i64, scratch_operands = 0 : i64, tpu.core_type = #tpu.core_type<tc>, window_params = [{transform_indices = @transform_0, window_bounds = array<i64: 2048, 128>}, {transform_indices = @transform_1, window_bounds = array<i64: 2048, 2>}, {transform_indices = @transform_2, window_bounds = array<i64: 2048, 128>}, {transform_indices = @transform_3, window_bounds = array<i64: 2048, 1>}]} {
    %get3A = arith.constant 0 : index
    %get3A_0 = arith.constant 0 : index
    %get3A_1 = vector.load %arg2[%get3A, %get3A_0] : memref<2048x2xf32, #tpu.memory_space<vmem>>, vector<2048x1xf32>
    %get3A_2 = arith.constant 0 : index
    %get3A_3 = arith.constant 1 : index
    %get3A_4 = vector.load %arg2[%get3A_2, %get3A_3] : memref<2048x2xf32, #tpu.memory_space<vmem>>, vector<2048x1xf32>
    %add3A = arith.addf %get3A_1, %get3A_4 : vector<2048x1xf32>
    %add3A_5 = arith.constant 1.000000e+00 : f32
    %add3A_6 = vector.broadcast %add3A_5 : f32 to vector<2048x1xf32>
    %add3A_7 = arith.addf %add3A, %add3A_6 : vector<2048x1xf32>
    %rsqrt3A = math.rsqrt %add3A_7 : vector<2048x1xf32>
    %swap3A = arith.constant 0 : index
    %swap3A_8 = arith.constant 0 : index
    %swap3A_9 = vector.load %arg4[%swap3A, %swap3A_8] : memref<2048x1xf32, #tpu.memory_space<vmem>>, vector<2048x1xf32>
    tpu.vector_store %arg4[%swap3A, %swap3A_8], %rsqrt3A {strides = array<i32>} : memref<2048x1xf32, #tpu.memory_space<vmem>>, vector<2048x1xf32>,
    %get3A_10 = arith.constant 0 : index
    %get3A_11 = arith.constant 0 : index
    %get3A_12 = vector.load %arg1[%get3A_10, %get3A_11] : memref<2048x128xf32, #tpu.memory_space<vmem>>, vector<2048x128xf32>
    %mul3A = vector.broadcast %rsqrt3A : vector<2048x1xf32> to vector<2048x128xf32>
    %mul3A_13 = arith.mulf %get3A_12, %mul3A : vector<2048x128xf32>
    %swap3A_14 = arith.constant 0 : index
    %swap3A_15 = arith.constant 0 : index
    %swap3A_16 = vector.load %arg3[%swap3A_14, %swap3A_15] : memref<2048x128xf32, #tpu.memory_space<vmem>>, vector<2048x128xf32>
    tpu.vector_store %arg3[%swap3A_14, %swap3A_15], %mul3A_13 {strides = array<i32>} : memref<2048x128xf32, #tpu.memory_space<vmem>>, vector<2048x128xf32>,
    return
  }
  func.func @transform_0(%arg0: i32) -> (i32, i32) {
    %c0_i32 = arith.constant 0 : i32
    %c0_i32_0 = arith.constant 0 : i32
    return %arg0, %c0_i32 : i32, i32
  }
  func.func @transform_1(%arg0: i32) -> (i32, i32) {
    %c0_i32 = arith.constant 0 : i32
    %c0_i32_0 = arith.constant 0 : i32
    return %arg0, %c0_i32 : i32, i32
  }
  func.func @transform_2(%arg0: i32) -> (i32, i32) {
    %c0_i32 = arith.constant 0 : i32
    %c0_i32_0 = arith.constant 0 : i32
    return %arg0, %c0_i32 : i32, i32
  }
  func.func @transform_3(%arg0: i32) -> (i32, i32) {
    %c0_i32 = arith.constant 0 : i32
    %c0_i32_0 = arith.constant 0 : i32
    return %arg0, %c0_i32 : i32, i32
  }
}

module attributes {stable_mosaic.version = 14 : i64} {
  func.func @body(%arg0: i32, %arg1: memref<2x1024x128xf32, #tpu.memory_space<vmem>>, %arg2: memref<1024x128xf32, #tpu.memory_space<vmem>>, %arg3: memref<1024x1xf32, #tpu.memory_space<vmem>>, %arg4: memref<128x256xf32, #tpu.memory_space<vmem>>, %arg5: memref<1x256xf32, #tpu.memory_space<vmem>>, %arg6: memref<256x128xf32, #tpu.memory_space<vmem>>, %arg7: memref<1024x128xf32, #tpu.memory_space<vmem>>) attributes {dimension_semantics = [#tpu.dimension_semantics<arbitrary>], iteration_bounds = array<i64: 10>, scalar_prefetch = 0 : i64, scratch_operands = 0 : i64, tpu.core_type = #tpu.core_type<tc>, window_params = [{transform_indices = @transform_0, window_bounds = array<i64: 2, 1024, 128>}, {transform_indices = @transform_1, window_bounds = array<i64: 1024, 128>}, {transform_indices = @transform_2, window_bounds = array<i64: 1024, 1>}, {pipeline_mode = #tpu.pipeline_mode<synchronous>, transform_indices = @transform_3, window_bounds = array<i64: 128, 256>}, {pipeline_mode = #tpu.pipeline_mode<synchronous>, transform_indices = @transform_4, window_bounds = array<i64: 1, 256>}, {pipeline_mode = #tpu.pipeline_mode<synchronous>, transform_indices = @transform_5, window_bounds = array<i64: 256, 128>}, {transform_indices = @transform_6, window_bounds = array<i64: 1024, 128>}]} {
    %get3A = arith.constant 0 : index
    %get3A_0 = arith.constant 0 : index
    %get3A_1 = vector.load %arg3[%get3A, %get3A_0] : memref<1024x1xf32, #tpu.memory_space<vmem>>, vector<1024x1xf32>
    %get3A_2 = arith.constant 0 : index
    %get3A_3 = arith.constant 0 : index
    %get3A_4 = arith.constant 0 : index
    %get3A_5 = vector.load %arg1[%get3A_2, %get3A_3, %get3A_4] : memref<2x1024x128xf32, #tpu.memory_space<vmem>>, vector<1x1024x128xf32>
    %get3A_6 = vector.shape_cast %get3A_5 : vector<1x1024x128xf32> to vector<1024x128xf32>
    %get3A_7 = arith.constant 1 : index
    %get3A_8 = arith.constant 0 : index
    %get3A_9 = arith.constant 0 : index
    %get3A_10 = vector.load %arg1[%get3A_7, %get3A_8, %get3A_9] : memref<2x1024x128xf32, #tpu.memory_space<vmem>>, vector<1x1024x128xf32>
    %get3A_11 = vector.shape_cast %get3A_10 : vector<1x1024x128xf32> to vector<1024x128xf32>
    %add3A = arith.addf %get3A_6, %get3A_11 : vector<1024x128xf32>
    %get3A_12 = arith.constant 0 : index
    %get3A_13 = arith.constant 0 : index
    %get3A_14 = vector.load %arg2[%get3A_12, %get3A_13] : memref<1024x128xf32, #tpu.memory_space<vmem>>, vector<1024x128xf32>
    %add3A_15 = arith.addf %add3A, %get3A_14 : vector<1024x128xf32>
    %mul3A = vector.broadcast %get3A_1 : vector<1024x1xf32> to vector<1024x128xf32>
    %mul3A_16 = arith.mulf %add3A_15, %mul3A : vector<1024x128xf32>
    %get3A_17 = arith.constant 0 : index
    %get3A_18 = arith.constant 0 : index
    %get3A_19 = vector.load %arg4[%get3A_17, %get3A_18] : memref<128x256xf32, #tpu.memory_space<vmem>>, vector<128x256xf32>
    %dot_general3A = arith.constant dense<0.000000e+00> : vector<1024x256xf32>
    %dot_general3A_20 = tpu.matmul %mul3A_16, %get3A_19, %dot_general3A {dimension_numbers = #tpu.dot_dimension_numbers<[1], [0], [0], [1], [0, 0, 1, 1], [], []>, transpose_lhs_hint = false} : vector<1024x128xf32>, vector<128x256xf32>, vector<1024x256xf32> -> vector<1024x256xf32>
    %get3A_21 = arith.constant 0 : index
    %get3A_22 = arith.constant 0 : index
    %get3A_23 = vector.load %arg5[%get3A_21, %get3A_22] : memref<1x256xf32, #tpu.memory_space<vmem>>, vector<1x256xf32>
    %add3A_24 = vector.broadcast %get3A_23 : vector<1x256xf32> to vector<1024x256xf32>
    %add3A_25 = arith.addf %dot_general3A_20, %add3A_24 : vector<1024x256xf32>
    %max3A = arith.constant 0.000000e+00 : f32
    %max3A_26 = vector.broadcast %max3A : f32 to vector<1024x256xf32>
    %max3A_27 = arith.maximumf %add3A_25, %max3A_26 : vector<1024x256xf32>
    %get3A_28 = arith.constant 0 : index
    %get3A_29 = arith.constant 0 : index
    %get3A_30 = vector.load %arg6[%get3A_28, %get3A_29] : memref<256x128xf32, #tpu.memory_space<vmem>>, vector<256x128xf32>
    %dot_general3A_31 = arith.constant dense<0.000000e+00> : vector<1024x128xf32>
    %dot_general3A_32 = tpu.matmul %max3A_27, %get3A_30, %dot_general3A_31 {dimension_numbers = #tpu.dot_dimension_numbers<[1], [0], [0], [1], [0, 0, 1, 1], [], []>, transpose_lhs_hint = false} : vector<1024x256xf32>, vector<256x128xf32>, vector<1024x128xf32> -> vector<1024x128xf32>
    %mul3A_33 = vector.broadcast %get3A_1 : vector<1024x1xf32> to vector<1024x128xf32>
    %mul3A_34 = arith.mulf %dot_general3A_32, %mul3A_33 : vector<1024x128xf32>
    %swap3A = arith.constant 0 : index
    %swap3A_35 = arith.constant 0 : index
    %swap3A_36 = vector.load %arg7[%swap3A, %swap3A_35] : memref<1024x128xf32, #tpu.memory_space<vmem>>, vector<1024x128xf32>
    tpu.vector_store %arg7[%swap3A, %swap3A_35], %mul3A_34 {strides = array<i32>} : memref<1024x128xf32, #tpu.memory_space<vmem>>, vector<1024x128xf32>,
    return
  }
  func.func @transform_0(%arg0: i32) -> (i32, i32, i32) {
    %c0_i32 = arith.constant 0 : i32
    %c0_i32_0 = arith.constant 0 : i32
    %c0_i32_1 = arith.constant 0 : i32
    return %c0_i32, %arg0, %c0_i32_0 : i32, i32, i32
  }
  func.func @transform_1(%arg0: i32) -> (i32, i32) {
    %c0_i32 = arith.constant 0 : i32
    %c0_i32_0 = arith.constant 0 : i32
    return %arg0, %c0_i32 : i32, i32
  }
  func.func @transform_2(%arg0: i32) -> (i32, i32) {
    %c0_i32 = arith.constant 0 : i32
    %c0_i32_0 = arith.constant 0 : i32
    return %arg0, %c0_i32 : i32, i32
  }
  func.func @transform_3(%arg0: i32) -> (i32, i32) {
    %c0_i32 = arith.constant 0 : i32
    %c0_i32_0 = arith.constant 0 : i32
    %c0_i32_1 = arith.constant 0 : i32
    return %c0_i32, %c0_i32_0 : i32, i32
  }
  func.func @transform_4(%arg0: i32) -> (i32, i32) {
    %c0_i32 = arith.constant 0 : i32
    %c0_i32_0 = arith.constant 0 : i32
    %c0_i32_1 = arith.constant 0 : i32
    return %c0_i32, %c0_i32_0 : i32, i32
  }
  func.func @transform_5(%arg0: i32) -> (i32, i32) {
    %c0_i32 = arith.constant 0 : i32
    %c0_i32_0 = arith.constant 0 : i32
    %c0_i32_1 = arith.constant 0 : i32
    return %c0_i32, %c0_i32_0 : i32, i32
  }
  func.func @transform_6(%arg0: i32) -> (i32, i32) {
    %c0_i32 = arith.constant 0 : i32
    %c0_i32_0 = arith.constant 0 : i32
    return %arg0, %c0_i32 : i32, i32
  }
}

module attributes {stable_mosaic.version = 14 : i64} {
  func.func @body(%arg0: i32, %arg1: memref<2x2048x128xf32, #tpu.memory_space<vmem>>, %arg2: memref<2048x128xf32, #tpu.memory_space<vmem>>, %arg3: memref<2048x1xf32, #tpu.memory_space<vmem>>, %arg4: memref<1x128xf32, #tpu.memory_space<vmem>>, %arg5: memref<2048x128xf32, #tpu.memory_space<vmem>>) attributes {dimension_semantics = [#tpu.dimension_semantics<arbitrary>], iteration_bounds = array<i64: 5>, scalar_prefetch = 0 : i64, scratch_operands = 0 : i64, tpu.core_type = #tpu.core_type<tc>, window_params = [{transform_indices = @transform_0, window_bounds = array<i64: 2, 2048, 128>}, {transform_indices = @transform_1, window_bounds = array<i64: 2048, 128>}, {transform_indices = @transform_2, window_bounds = array<i64: 2048, 1>}, {pipeline_mode = #tpu.pipeline_mode<synchronous>, transform_indices = @transform_3, window_bounds = array<i64: 1, 128>}, {transform_indices = @transform_4, window_bounds = array<i64: 2048, 128>}]} {
    %get3A = arith.constant 0 : index
    %get3A_0 = arith.constant 0 : index
    %get3A_1 = vector.load %arg3[%get3A, %get3A_0] : memref<2048x1xf32, #tpu.memory_space<vmem>>, vector<2048x1xf32>
    %get3A_2 = arith.constant 0 : index
    %get3A_3 = arith.constant 0 : index
    %get3A_4 = arith.constant 0 : index
    %get3A_5 = vector.load %arg1[%get3A_2, %get3A_3, %get3A_4] : memref<2x2048x128xf32, #tpu.memory_space<vmem>>, vector<1x2048x128xf32>
    %get3A_6 = vector.shape_cast %get3A_5 : vector<1x2048x128xf32> to vector<2048x128xf32>
    %get3A_7 = arith.constant 1 : index
    %get3A_8 = arith.constant 0 : index
    %get3A_9 = arith.constant 0 : index
    %get3A_10 = vector.load %arg1[%get3A_7, %get3A_8, %get3A_9] : memref<2x2048x128xf32, #tpu.memory_space<vmem>>, vector<1x2048x128xf32>
    %get3A_11 = vector.shape_cast %get3A_10 : vector<1x2048x128xf32> to vector<2048x128xf32>
    %add3A = arith.addf %get3A_6, %get3A_11 : vector<2048x128xf32>
    %get3A_12 = arith.constant 0 : index
    %get3A_13 = arith.constant 0 : index
    %get3A_14 = vector.load %arg2[%get3A_12, %get3A_13] : memref<2048x128xf32, #tpu.memory_space<vmem>>, vector<2048x128xf32>
    %add3A_15 = arith.addf %add3A, %get3A_14 : vector<2048x128xf32>
    %mul3A = vector.broadcast %get3A_1 : vector<2048x1xf32> to vector<2048x128xf32>
    %mul3A_16 = arith.mulf %add3A_15, %mul3A : vector<2048x128xf32>
    %get3A_17 = arith.constant 0 : index
    %get3A_18 = arith.constant 0 : index
    %get3A_19 = vector.load %arg4[%get3A_17, %get3A_18] : memref<1x128xf32, #tpu.memory_space<vmem>>, vector<1x128xf32>
    %add3A_20 = vector.broadcast %get3A_19 : vector<1x128xf32> to vector<2048x128xf32>
    %add3A_21 = arith.addf %mul3A_16, %add3A_20 : vector<2048x128xf32>
    %max3A = arith.constant 0.000000e+00 : f32
    %max3A_22 = vector.broadcast %max3A : f32 to vector<2048x128xf32>
    %max3A_23 = arith.maximumf %add3A_21, %max3A_22 : vector<2048x128xf32>
    %swap3A = arith.constant 0 : index
    %swap3A_24 = arith.constant 0 : index
    %swap3A_25 = vector.load %arg5[%swap3A, %swap3A_24] : memref<2048x128xf32, #tpu.memory_space<vmem>>, vector<2048x128xf32>
    tpu.vector_store %arg5[%swap3A, %swap3A_24], %max3A_23 {strides = array<i32>} : memref<2048x128xf32, #tpu.memory_space<vmem>>, vector<2048x128xf32>,
    return
  }
  func.func @transform_0(%arg0: i32) -> (i32, i32, i32) {
    %c0_i32 = arith.constant 0 : i32
    %c0_i32_0 = arith.constant 0 : i32
    %c0_i32_1 = arith.constant 0 : i32
    return %c0_i32, %arg0, %c0_i32_0 : i32, i32, i32
  }
  func.func @transform_1(%arg0: i32) -> (i32, i32) {
    %c0_i32 = arith.constant 0 : i32
    %c0_i32_0 = arith.constant 0 : i32
    return %arg0, %c0_i32 : i32, i32
  }
  func.func @transform_2(%arg0: i32) -> (i32, i32) {
    %c0_i32 = arith.constant 0 : i32
    %c0_i32_0 = arith.constant 0 : i32
    return %arg0, %c0_i32 : i32, i32
  }
  func.func @transform_3(%arg0: i32) -> (i32, i32) {
    %c0_i32 = arith.constant 0 : i32
    %c0_i32_0 = arith.constant 0 : i32
    %c0_i32_1 = arith.constant 0 : i32
    return %c0_i32, %c0_i32_0 : i32, i32
  }
  func.func @transform_4(%arg0: i32) -> (i32, i32) {
    %c0_i32 = arith.constant 0 : i32
    %c0_i32_0 = arith.constant 0 : i32
    return %arg0, %c0_i32 : i32, i32
  }
}

</mosaic_0001>

<sc_bundles>
// kernel: kernel.11.cloned.1.call-start
scs
__scs_entry_jumppad:
0x0: {  	(pc) =	sbr.rel $0x88, $3  }
0x1: {  	(tag) =	ssettag $0x0;
	lr =	simm.s32 $0x1  }
0x2: {  	[smem:$0x3F9B] =	sst lr;
	_ =	strace $0xD0000000  }
0x3: {  	_ = 	snop  }
0x4: {  	_ = 	snop  }
0x5: {  	_ = 	snop  }
0x6: {  	_ = 	snop  }
0x7: {  	_ = 	snop  }
__scs_overlays_trampoline_lowered:
0x8: {  	[smem:$0x3FAA] =	sst s0  }
0x9: {  	[smem:$0x3FAB] =	sst s1  }
0xa: {  	[smem:$0x3FAC] =	sst s2  }
0xb: {  	[smem:$0x3FAD] =	sst s3  }
0xc: {  	[smem:$0x3FAE] =	sst s4  }
0xd: {  	[smem:$0x3FAF] =	sst s5  }
0xe: {  	[smem:$0x3FB0] =	sst s6  }
0xf: {  	[smem:$0x3FB1] =	sst s7  }
0x10: {  	[smem:$0x3FB2] =	sst s8  }
0x11: {  	[smem:$0x3FB3] =	sst s9;
	s0 =	simm.s32 @!p0 $0x0  }
0x12: {  	s1 =	sld [smem:$0x3F99];
	s0 =	simm.s32 @p0 $0x1  }
0x13: {  	[smem:$0x3FB4] =	sst s0;
	s0 =	simm.s32 @!p1 $0x0  }
0x14: {  	s2 =	sld [smem:$0x3F98];
	s0 =	simm.s32 @p1 $0x1  }
0x15: {  	[smem:$0x3FB5] =	sst s0;
	s0 =	simm.s32 @!p2 $0x0  }
0x16: {  	s3 =	sld [smem:$0x3FDB];
	s0 =	simm.s32 @p2 $0x1  }
0x17: {  	s4 =	simm.s32 $0x1BF5;
	[smem:$0x3FB7] =	sst s0  }
0x18: {  	s0 =	sld [smem:$0x3F9A];
	_ =	swait.ge [sflag:s4], $0x0  }
0x19: {  	s7 =	sld [smem:$0x3F9B]  }
0x1a: {  	s8 =	sadd.s32 $0xFFFFE003, lr  }
0x1b: {  	s9 =	sadd.s32 $0xFFFFFEF7, lr;
	s5 =	simm.s32 $0xFFFFFFFF;
	p2 =	slt.u32 s8, $0xFFFFF086  }
0x1c: {  	p1 =	slt.u32 s9, $0xF7A;
	s5 =	simm.s32 @!p2 $0x0  }
0x1d: {  	s5 =	simm.s32 @p1 $0x1;
	p0 =	seq.s32 s7, s2  }
0x1e: {  	s7 =	smul.u32 @!p0 $0xF7A, s2;
	p2 =	seq.s32 @!p0 s5, $0x0  }
0x1f: {  	s9 =	smul.u32 $0xF7A, s1;
	s8 =	simm.s32 @!p0 $0x1BF5;
	p2 =	por !p2, p0  }
0x20: {  	[sflag:s8] =	ssyncset.s32 @!p0 $0xFFFFF086;
	s6 =	sadd.s32 @!p0 s3, s7;
	s7 =	simm.s32 @!p0 $0x108  }
0x21: {  	s3 =	sadd.s32 s3, s9;
	s6 =	sadd.s32 @!p0 $0x88, s6;
	s7 =	simm.s32 @p2 $0x1082  }
0x22: {  	[simem:s7], [sflag:s8] =	dma.local @!p0 [hbm:s6], $0xF7A  }
0x23: {  	s9 =	sor.u32 $0xD0000000, s2;
	s6 =	simm.s32 $0x108;
	_ =	swait.ge @!p0 [sflag:s8], $0x0  }
0x24: {  	s3 =	sadd.s32 $0x88, s3;
	s6 =	simm.s32 @!p1 $0x1082;
	[sflag:s4] =	ssyncset.s32 $0xFFFFF086  }
0x25: {  	[simem:s6], [sflag:s4] =	dma.local [hbm:s3], $0xF7A  }
0x26: {  	[smem:$0x3F9B] =	sst s1;
	(tag) =	ssettag s2;
	_ =	strace s9  }
0x27: {  	s1 =	sld [smem:$0x3FAB]  }
0x28: {  	s2 =	sld [smem:$0x3FAC]  }
0x29: {  	s4 =	sld [smem:$0x3FAE]  }
0x2a: {  	p0 =	seq.s32 s5, $0x0;
	s5 =	sld [smem:$0x3FAF]  }
0x2b: {  	s6 =	sld [smem:$0x3FB0]  }
0x2c: {  	s7 =	sld [smem:$0x3FB1]  }
0x2d: {  	s3 =	simm.s32 $0x108;
	s8 =	sld [smem:$0x3FB2]  }
0x2e: {  	s3 =	simm.s32 @!p0 $0x1082;
	s9 =	sld [smem:$0x3FB3]  }
0x2f: {  	lr =	sadd.s32 s0, s3;
	s0 =	sld [smem:$0x3FAA]  }
0x30: {  	s3 =	sld [smem:$0x3FAD]  }
0x31: {  	[smem:$0x3FB6] =	sst s10  }
0x32: {  	s10 =	sld [smem:$0x3FB4];
	_ =	sdelay $0x3  }
0x33: {  	p0 =	seq.s32 s10, $0x1;
	s10 =	sld [smem:$0x3FB6];
	_ =	sdelay $0x3  }
0x34: {  	[smem:$0x3FB6] =	sst s10  }
0x35: {  	s10 =	sld [smem:$0x3FB5];
	_ =	sdelay $0x3  }
0x36: {  	p1 =	seq.s32 s10, $0x1;
	s10 =	sld [smem:$0x3FB6];
	_ =	sdelay $0x3  }
0x37: {  	[smem:$0x3FB6] =	sst s10  }
0x38: {  	s10 =	sld [smem:$0x3FB7]  }
0x39: {  	_ = 	snop;
	(pc) =	sbr.ind lr, $3  }
0x3a: {  	_ = 	snop  }
0x3b: {  	_ = 	snop  }
0x3c: {  	p2 =	seq.s32 s10, $0x1;
	s10 =	sld [smem:$0x3FB6]  }
0x3d: {  	_ =	shalt  }
0x3e: {  	_ =	shalt  }
0x3f: {  	_ =	shalt  }
0x40: {  	_ =	shalt  }
0x41: {  	_ =	shalt  }
0x42: {  	_ =	shalt  }
0x43: {  	_ =	shalt  }
0x44: {  	_ =	shalt  }
0x45: {  	_ =	shalt  }
0x46: {  	_ =	shalt  }
0x47: {  	_ =	shalt  }
0x48: {  	_ =	shalt  }
0x49: {  	_ =	shalt  }
0x4a: {  	_ =	shalt  }
0x4b: {  	_ =	shalt  }
0x4c: {  	_ =	shalt  }
0x4d: {  	_ =	shalt  }
0x4e: {  	_ =	shalt  }
0x4f: {  	_ =	shalt  }
0x50: {  	_ =	shalt  }
0x51: {  	_ =	shalt  }
0x52: {  	_ =	shalt  }
0x53: {  	_ =	shalt  }
0x54: {  	_ =	shalt  }
0x55: {  	_ =	shalt  }
0x56: {  	_ =	shalt  }
0x57: {  	_ =	shalt  }
0x58: {  	_ =	shalt  }
0x59: {  	_ =	shalt  }
0x5a: {  	_ =	shalt  }
0x5b: {  	_ =	shalt  }
0x5c: {  	_ =	shalt  }
0x5d: {  	_ =	shalt  }
0x5e: {  	_ =	shalt  }
0x5f: {  	_ =	shalt  }
0x60: {  	_ =	shalt  }
0x61: {  	_ =	shalt  }
0x62: {  	_ =	shalt  }
0x63: {  	_ =	shalt  }
0x64: {  	_ =	shalt  }
0x65: {  	_ =	shalt  }
0x66: {  	_ =	shalt  }
0x67: {  	_ =	shalt  }
0x68: {  	_ =	shalt  }
0x69: {  	_ =	shalt  }
0x6a: {  	_ =	shalt  }
0x6b: {  	_ =	shalt  }
0x6c: {  	_ =	shalt  }
0x6d: {  	_ =	shalt  }
0x6e: {  	_ =	shalt  }
0x6f: {  	_ =	shalt  }
0x70: {  	_ =	shalt  }
0x71: {  	_ =	shalt  }
0x72: {  	_ =	shalt  }
0x73: {  	_ =	shalt  }
0x74: {  	_ =	shalt  }
0x75: {  	_ =	shalt  }
0x76: {  	_ =	shalt  }
0x77: {  	_ =	shalt  }
0x78: {  	_ =	shalt  }
0x79: {  	_ =	shalt  }
0x7a: {  	_ =	shalt  }
0x7b: {  	_ =	shalt  }
0x7c: {  	_ =	shalt  }
0x7d: {  	_ =	shalt  }
0x7e: {  	_ =	shalt  }
0x7f: {  	_ =	shalt  }
0x80: {  	_ =	shalt  }
0x81: {  	_ =	shalt  }
0x82: {  	_ =	shalt  }
0x83: {  	_ =	shalt  }
0x84: {  	_ =	shalt  }
0x85: {  	_ =	shalt  }
0x86: {  	_ =	shalt  }
0x87: {  	_ =	shalt  }
.Lfunc_end0:
.L_simem_size_0:
called_computation.1_lowered:
.L_overlay_start_0:
0x88: {  	s2 =	sld [smem:$0x3FD9]  }
0x89: {  	s3 =	sld [smem:$0x3FFE];
	_ =	sdelay $0x1  }
0x8a: {  	s1 =	srdreg.scid  }
0x8b: {  	s0 =	sand.u32 $0x1, s1  }
0x8c: {  	s17 =	sshll.u32 s0, $0xA;
	s2 =	sadd.s32 s3, s2  }
0x8d: {  	s2 =	sadd.s32 s2, s17  }
0x8e: {  	[smem:$0x3FC2] =	sst s2  }
0x8f: {  	_ = 	snop  }
0x90: {  	s2 =	sld [smem:$0x3FD0];
	(tm) =	ssettm $0x1  }
0x91: {  	s18 =	sld [smem:$0x3FFB];
	_ =	sdelay $0x3  }
0x92: {  	_ =	strace s18  }
0x93: {  	s3 =	sld [smem:$0x3FFC];
	_ =	sdelay $0x3  }
0x94: {  	_ =	strace s3  }
0x95: {  	s3 =	sld [smem:$0x3FFD];
	_ =	sdelay $0x3  }
0x96: {  	_ =	strace s3  }
0x97: {  	_ =	strace $0x8FFFFFFF  }
0x98: {  	s19 =	sld [smem:$0x3FDB];
	_ =	sdelay $0x1  }
0x99: {  	s4 =	simm.s32 $_scs_section_size  }
0x9a: {  	s5 =	simm.s32 $_size__tile_overlayer_lowered;
	s6 =	simm.s32 $_tile_overlayer_lowered  }
0x9b: {  	s22 =	simm.s32 $0x1BFF;
	s21 =	sshll.u32 s6, $0x1;
	s3 =	sadd.s32 s4, s19  }
0x9c: {  	s7 =	simm.s32 $0x0;
	s20 =	sshll.u32 s5, $0x1;
	s5 =	sadd.s32 s21, s3  }
0x9d: {  	[timem:s7], [sflag:s22] =	dma.local [hbm:s5], s20  }
0x9e: {  	_ =	swait.ge [sflag:s22], s20  }
0x9f: {  	s4 =	ssub.s32 $0x0, s20;
	[sflag:s22] =	ssyncset.done $0x0  }
0xa0: {  	[sflag:s22] =	ssyncadd.s32 s4;
	_ =	sdelay $0x1  }
0xa1: {  	s23 =	simm.s32 $0x1B8B  }
0xa2: {  	_ =	swait.ge [sflag:s23], $0x1  }
0xa3: {  	[sflag:s23] =	ssyncset.done $0x0  }
0xa4: {  	s25 =	simm.s32 $0x1B8E;
	s24 =	sld [smem:$0x3FFE];
	[sflag:s23] =	ssyncadd.s32 $0xFFFFFFFF  }
0xa5: {  	s26 =	simm.s32 $execute0_lowered;
	[smem:$0x3FD2] =	sst s25  }
0xa6: {  	s5 =	sshll.u32 s26, $0x1;
	_ =	strace $0x80000049;
	[dreg:$0x1] =	wrdreg $0xFFFFFFFF  }
0xa7: {  	s28 =	simm.s32 $_size_execute0_lowered;
	s3 =	sadd.s32 s3, s5;
	[dreg:$0x0] =	wrdreg $0x0  }
0xa8: {  	s5 =	sshll.u32 s28, $0x1;
	[dreg:$0x2] =	wrdreg s3  }
0xa9: {  	[dreg:$0x3] =	wrdreg s5  }
0xaa: {  	[dreg:$0x4] =	wrdreg $0xC0  }
0xab: {  	_ =	task [dreg:s7], $0x5FFFF  }
0xac: {  	[dreg:$0x1] =	wrdreg $0xFFFFFFFF  }
0xad: {  	[dreg:$0x0] =	wrdreg $0x60  }
0xae: {  	[dreg:$0x2] =	wrdreg s2  }
0xaf: {  	[dreg:$0x3] =	wrdreg s24  }
0xb0: {  	[dreg:$0x4] =	wrdreg $0x41000  }
0xb1: {  	[dreg:$0x5] =	wrdreg $0x9  }
0xb2: {  	_ =	task.clear_ibuf [dreg:s7], $0x6FFFF;
	_ =	strace $0x90000049  }
0xb3: {  	s29 =	simm.s32 $0x9;
	_ =	strace $0x8000004B  }
0xb4: {  	_ =	swait.ge [sflag:s29], $0x1  }
0xb5: {  	[sflag:s29] =	ssyncadd.s32 $0xFFFFFFFF  }
0xb6: {  	_ =	strace $0x9000004B  }
0xb7: {  	_ =	sfence  }
0xb8: {  	s30 =	sld [smem:$0x0];
	_ =	sdelay $0x2  }
0xb9: {  	s31 =	sshll.u32 s1, $0xD;
	s1 =	sshrl.u32 s1, $0x2  }
0xba: {  	s3 =	sand.u32 $0x4000, s31;
	s1 =	sadd.s32 s1, s30  }
0xbb: {  	s0 =	sor.u32 s3, s0;
	s1 =	sshll.u32 s1, $0x11  }
0xbc: {  	s0 =	sor.u32 s1, s0  }
0xbd: {  	s0 =	sadd.s32 $0x8F2B, s0  }
0xbe: {  	[sflag:s0] =	ssyncadd.remote.s32 $0x1  }
0xbf: {  	_ =	sfence.sel $0xFFFF  }
0xc0: {  	[dreg:$0x0] =	wrdreg $0xFFFFFFFF;
	(pc) =	sbr.abs _section_cstart, $3  }
0xc1: {  	[dreg:$0x1] =	wrdreg $0xFFFFFFFF  }
0xc2: {  	_ =	task.clear_ibuf [dreg:s7], $0x2FFFF;
	_ =	strace $0x9FFFFFFF  }
0xc3: {  	(tm) =	ssettm $0x7FFFFFFF  }
tec
execute0_lowered:
.L_overlay_start_1:
0x0: {  	(tag) =	ssettag $0x1  }
0x1: {  	s1 =	rddreg [dreg:$0x0]  }
0x2: {  	s7 =	rddreg [dreg:$0x1]  }
0x3: {  	s2 =	rddreg [dreg:$0x2];
	s4 =	simm.s32 $0x0;
	s3 =	stileid.u32  }
0x4: {  	s6 =	srdreg.scid;
	s25 =	simm.s32 $0x80;
	s9 =	smul.u32 $0x50000, s3  }
0x5: {  	s28 =	simm.s32 $0x0;
	[smem:$0x7FF] =	sst s4;
	s12 =	smul.u32 $0x2800, s3  }
0x6: {  	s5 =	sadd.s32 $0x2400, s7;
	s8 =	sand.u32 $0x1, s6;
	s19 =	smul.u32 $0x14000, s3  }
0x7: {  	s6 =	sadd.s32 $0xC400, s7;
	s22 =	sadd.s32 $0x34400, s7;
	s11 =	smul.u32 $0x28000, s8  }
0x8: {  	_ =	strace $0x8000004A;
	s10 =	ssub.s32 $0x2, s8;
	s20 =	smul.u32 $0x140000, s8  }
0x9: {  	s26 =	sshrl.u32 s10, $0x1;
	s29 =	sshrl.u32 s9, $0x2;
	s15 =	sadd.s32 $0x4000, s19  }
0xa: {  	s17 =	sadd.s32 $0x8000, s19;
	s21 =	sadd.s32 $0xC000, s19;
	s24 =	sadd.s32 $0x10000, s19  }
0xb: {  	s10 =	ssub.s32 s10, s26;
	s7 =	sadd.s32 s29, s2;
	s8 =	sadd.s32 s12, s11  }
0xc: {  	s14 =	sadd.s32 s20, s19;
	s16 =	sadd.s32 s20, s15;
	s15 =	sadd.s32 s15, s2  }
0xd: {  	s18 =	sadd.s32 s20, s17;
	s17 =	sadd.s32 s17, s2;
	s23 =	sadd.s32 s20, s21  }
0xe: {  	s19 =	sadd.s32 s21, s2;
	s31 =	sadd.s32 s20, s24;
	s21 =	sadd.s32 s24, s2  }
0xf: {  	s24 =	simm.s32 $0x2;
	s26 =	simm.s32 $0x1;
	s9 =	smax.u32 s10, $0x1  }
0x10: {  	s10 =	sadd.s32 $0x4000, s7;
	s11 =	sadd.s32 $0x8000, s7;
	s12 =	sadd.s32 $0xC000, s7  }
0x11: {  	s13 =	sadd.s32 $0x10000, s7;
	s14 =	sshrl.u32 s14, $0x3;
	s16 =	sshrl.u32 s16, $0x3  }
0x12: {  	s18 =	sshrl.u32 s18, $0x3;
	s30 =	sshrl.u32 s23, $0x3;
	s23 =	sshrl.u32 s31, $0x3  }
0x13: {  	s14 =	sadd.s32 s22, s14;
	s16 =	sadd.s32 s22, s16;
	s18 =	sadd.s32 s22, s18  }
0x14: {  	v0 =	vimm.f32 $0.0e+00;
	s20 =	sadd.s32 s22, s30;
	s22 =	sadd.s32 s22, s23;
	s23 =	simm.s32 $0x100  }
.LBB2_1:
0x15: {  	s29 =	simm.s32 $0x0;
	s30 =	simm.s32 $0x200  }
.LBB2_2:
0x16: {  	p0 =	sne.s32 s30, $0xFE00;
	[tilespmem:s29+$0x170] =	vst v0  }
0x17: {  	[tilespmem:s29+$0x100] =	vst v0  }
0x18: {  	[tilespmem:s29+$0x110] =	vst v0  }
.Ltmp0:
0x19: {  	[tilespmem:s29+$0x120] =	vst v0;
	(pc) =	sbr.rel @p0 .LBB2_2-.Ltmp0, $4  }
0x1a: {  	[tilespmem:s29+$0x130] =	vst v0  }
0x1b: {  	[tilespmem:s29+$0x140] =	vst v0  }
0x1c: {  	[tilespmem:s29+$0x150] =	vst v0  }
0x1d: {  	[tilespmem:s29+$0x160] =	vst v0;
	s29 =	sshra.s32 s30, $0x2;
	s30 =	sadd.s32 $0x200, s30  }
0x1e: {  	[tilespmem:s29+$0x170] =	vst v0  }
0x1f: {  	[tilespmem:s29+$0x100] =	vst v0  }
0x20: {  	[tilespmem:s29+$0x110] =	vst v0  }
0x21: {  	[tilespmem:s29+$0x120] =	vst v0  }
0x22: {  	[tilespmem:s29+$0x130] =	vst v0  }
0x23: {  	[tilespmem:s29+$0x140] =	vst v0  }
0x24: {  	[tilespmem:s29+$0x150] =	vst v0  }
0x25: {  	[tilespmem:s29+$0x160] =	vst v0  }
0x26: {  	[spmem:s7] =	stream.linear.scatter [tilespmem:s23], [sflag:$0x2], $0x4000, $0x38;
	[tilespmem:$0x18100] =	vst v63  }
0x27: {  	_ =	swait.ge [sflag:s24], $0x4000  }
0x28: {  	[sflag:s24] =	ssyncset.done $0x0  }
0x29: {  	[sflag:s24] =	ssyncadd.s32 $0xFFFFC000  }
0x2a: {  	[spmem:s10] =	stream.linear.scatter [tilespmem:s23], [sflag:$0x2], $0x4000, $0x38;
	[tilespmem:$0x18100] =	vst v63  }
0x2b: {  	_ =	swait.ge [sflag:s24], $0x4000  }
0x2c: {  	[sflag:s24] =	ssyncset.done $0x0  }
0x2d: {  	[sflag:s24] =	ssyncadd.s32 $0xFFFFC000  }
0x2e: {  	[spmem:s11] =	stream.linear.scatter [tilespmem:s23], [sflag:$0x2], $0x4000, $0x38;
	[tilespmem:$0x18100] =	vst v63  }
0x2f: {  	_ =	swait.ge [sflag:s24], $0x4000  }
0x30: {  	[sflag:s24] =	ssyncset.done $0x0  }
0x31: {  	[sflag:s24] =	ssyncadd.s32 $0xFFFFC000  }
0x32: {  	[spmem:s12] =	stream.linear.scatter [tilespmem:s23], [sflag:$0x2], $0x4000, $0x38;
	[tilespmem:$0x18100] =	vst v63  }
0x33: {  	_ =	swait.ge [sflag:s24], $0x4000  }
0x34: {  	s29 =	simm.s32 $0x0;
	[sflag:s24] =	ssyncset.done $0x0  }
0x35: {  	s30 =	sand.u32 $0x3C00, s29;
	[sflag:s24] =	ssyncadd.s32 $0xFFFFC000  }
0x36: {  	[spmem:s13] =	stream.linear.scatter [tilespmem:s23], [sflag:$0x2], $0x4000, $0x38;
	[tilespmem:$0x18100] =	vst v63  }
0x37: {  	s29 =	sand.u32 $0x380, s29;
	s30 =	sadd.s32 s30, s8;
	_ =	swait.ge [sflag:s24], $0x4000  }
0x38: {  	s29 =	sor.u32 s29, s30;
	[sflag:s24] =	ssyncset.done $0x0  }
0x39: {  	s29 =	sshrl.u32 s29, $0x3;
	[sflag:s24] =	ssyncadd.s32 $0xFFFFC000  }
0x3a: {  	s30 =	sadd.s32 s1, s29;
	[bflag:$0x0] =	sbarrier.arrive $0xFFFF  }
0x3b: {  	[tilespmem:s4], [sflag:$0x2] =	stream.linear.gather [hbm4b:s30+s4], $0x80, $0x38;
	[tilespmem:$0x18100] =	vst v63  }
0x3c: {  	_ =	swait.ge [sflag:s24], $0x80  }
0x3d: {  	[sflag:s24] =	ssyncset.done $0x0  }
0x3e: {  	s29 =	sadd.s32 s5, s29;
	[sflag:s24] =	ssyncadd.s32 $0xFFFFFF80  }
0x3f: {  	[tilespmem:s25], [sflag:$0x2] =	stream.linear.gather [hbm4b:s29+s4], $0x80, $0x38;
	[tilespmem:$0x18100] =	vst v63  }
0x40: {  	_ =	swait.ge [sflag:s24], $0x80  }
0x41: {  	[sflag:s24] =	ssyncset.done $0x0  }
0x42: {  	[sflag:s24] =	ssyncadd.s32 $0xFFFFFF80  }
0x43: {  	[tilespmem:s23], [sflag:$0x1] =	stream.indirect.gather [hbm4b:s6+s25], $0x80, s4, s25, $0xb8;
	[tilespmem:$0x18100] =	vst v63  }
0x44: {  	_ =	swait.ge [sflag:s26], $0x4000  }
0x45: {  	s29 =	simm.s32 $0x80;
	[sflag:s26] =	ssyncset.done $0x0  }
0x46: {  	s30 =	sand.u32 $0x3C00, s29;
	[sflag:s26] =	ssyncadd.s32 $0xFFFFC000  }
0x47: {  	[spmem:s2] =	stream.indirect.scatter.add.f32 [tilespmem:s23], [sflag:$0x2], $0x80, s25, s25, $0xb8;
	[tilespmem:$0x18100] =	vst v63  }
0x48: {  	s31 =	sand.u32 $0x380, s29;
	s30 =	sadd.s32 s30, s8;
	_ =	swait.ge [sflag:s24], $0x4000  }
0x49: {  	s29 =	simm.s32 $0x100;
	s30 =	sor.u32 s31, s30;
	[sflag:s24] =	ssyncset.done $0x0  }
.LBB2_4:
0x4a: {  	s30 =	sshrl.u32 s30, $0x3  }
0x4b: {  	[sflag:s24] =	ssyncadd.s32 $0xFFFFC000;
	s31 =	smov.u32 s29;
	s0 =	sadd.s32 $0x80, s29  }
0x4c: {  	p0 =	sne.s32 s29, $0x2700;
	s29 =	sadd.s32 s1, s30  }
0x4d: {  	[tilespmem:s4], [sflag:$0x2] =	stream.linear.gather [hbm4b:s29+s4], $0x80, $0x38;
	[tilespmem:$0x18100] =	vst v63  }
0x4e: {  	_ =	swait.ge [sflag:s24], $0x80  }
0x4f: {  	[sflag:s24] =	ssyncset.done $0x0  }
0x50: {  	s29 =	sadd.s32 s5, s30;
	[sflag:s24] =	ssyncadd.s32 $0xFFFFFF80  }
0x51: {  	[tilespmem:s25], [sflag:$0x2] =	stream.linear.gather [hbm4b:s29+s4], $0x80, $0x38;
	[tilespmem:$0x18100] =	vst v63  }
0x52: {  	_ =	swait.ge [sflag:s24], $0x80  }
0x53: {  	[sflag:s24] =	ssyncset.done $0x0  }
0x54: {  	[sflag:s24] =	ssyncadd.s32 $0xFFFFFF80  }
0x55: {  	[tilespmem:s23], [sflag:$0x1] =	stream.indirect.gather [hbm4b:s6+s25], $0x80, s4, s25, $0xb8;
	[tilespmem:$0x18100] =	vst v63  }
0x56: {  	_ =	swait.ge [sflag:s26], $0x4000  }
.Ltmp1:
0x57: {  	[sflag:s26] =	ssyncset.done $0x0;
	(pc) =	sbr.rel @p0 .LBB2_4-.Ltmp1, $4  }
0x58: {  	s29 =	sand.u32 $0x3C00, s31;
	[sflag:s26] =	ssyncadd.s32 $0xFFFFC000  }
0x59: {  	[spmem:s2] =	stream.indirect.scatter.add.f32 [tilespmem:s23], [sflag:$0x2], $0x80, s25, s25, $0xb8;
	[tilespmem:$0x18100] =	vst v63  }
0x5a: {  	s30 =	sand.u32 $0x380, s31;
	s29 =	sadd.s32 s29, s8;
	_ =	swait.ge [sflag:s24], $0x4000  }
0x5b: {  	s30 =	sor.u32 s30, s29;
	s29 =	smov.u32 s0;
	[sflag:s24] =	ssyncset.done $0x0  }
0x5c: {  	s0 =	sshrl.u32 s30, $0x3  }
0x5d: {  	[sflag:s24] =	ssyncadd.s32 $0xFFFFC000;
	s29 =	sadd.s32 s1, s0  }
0x5e: {  	[tilespmem:s4], [sflag:$0x2] =	stream.linear.gather [hbm4b:s29+s4], $0x80, $0x38;
	[tilespmem:$0x18100] =	vst v63  }
0x5f: {  	_ =	swait.ge [sflag:s24], $0x80  }
0x60: {  	[sflag:s24] =	ssyncset.done $0x0  }
0x61: {  	s0 =	sadd.s32 s5, s0;
	[sflag:s24] =	ssyncadd.s32 $0xFFFFFF80  }
0x62: {  	[tilespmem:s25], [sflag:$0x2] =	stream.linear.gather [hbm4b:s0+s4], $0x80, $0x38;
	[tilespmem:$0x18100] =	vst v63  }
0x63: {  	_ =	swait.ge [sflag:s24], $0x80  }
0x64: {  	[sflag:s24] =	ssyncset.done $0x0  }
0x65: {  	[sflag:s24] =	ssyncadd.s32 $0xFFFFFF80  }
0x66: {  	[tilespmem:s23], [sflag:$0x1] =	stream.indirect.gather [hbm4b:s6+s25], $0x80, s4, s25, $0xb8;
	[tilespmem:$0x18100] =	vst v63  }
0x67: {  	_ =	swait.ge [sflag:s26], $0x4000  }
0x68: {  	[sflag:s26] =	ssyncset.done $0x0  }
0x69: {  	[sflag:s26] =	ssyncadd.s32 $0xFFFFC000  }
0x6a: {  	[spmem:s2] =	stream.indirect.scatter.add.f32 [tilespmem:s23], [sflag:$0x2], $0x80, s25, s25, $0xb8;
	[tilespmem:$0x18100] =	vst v63  }
0x6b: {  	_ =	swait.ge [sflag:s24], $0x4000  }
0x6c: {  	[sflag:s24] =	ssyncset.done $0x0  }
0x6d: {  	[sflag:s24] =	ssyncadd.s32 $0xFFFFC000  }
0x6e: {  	[bflag:$0x0] =	sbarrier.arrive $0xFFFF  }
0x6f: {  	[tilespmem:s23], [sflag:$0x2] =	stream.linear.gather [spmem:s7], $0x4000, $0x38;
	[tilespmem:$0x18100] =	vst v63  }
0x70: {  	_ =	swait.ge [sflag:s24], $0x4000  }
0x71: {  	[sflag:s24] =	ssyncset.done $0x0  }
0x72: {  	[sflag:s24] =	ssyncadd.s32 $0xFFFFC000  }
0x73: {  	[hbm4b:s14+s4] =	stream.linear.scatter [tilespmem:s23], [sflag:$0x2], $0x4000, $0x38;
	[tilespmem:$0x18100] =	vst v63  }
0x74: {  	_ =	swait.ge [sflag:s24], $0x4000  }
0x75: {  	[sflag:s24] =	ssyncset.done $0x0  }
0x76: {  	[sflag:s24] =	ssyncadd.s32 $0xFFFFC000  }
0x77: {  	[tilespmem:s23], [sflag:$0x2] =	stream.linear.gather [spmem:s15], $0x4000, $0x38;
	[tilespmem:$0x18100] =	vst v63  }
0x78: {  	_ =	swait.ge [sflag:s24], $0x4000  }
0x79: {  	[sflag:s24] =	ssyncset.done $0x0  }
0x7a: {  	[sflag:s24] =	ssyncadd.s32 $0xFFFFC000  }
0x7b: {  	[hbm4b:s16+s4] =	stream.linear.scatter [tilespmem:s23], [sflag:$0x2], $0x4000, $0x38;
	[tilespmem:$0x18100] =	vst v63  }
0x7c: {  	_ =	swait.ge [sflag:s24], $0x4000  }
0x7d: {  	[sflag:s24] =	ssyncset.done $0x0  }
0x7e: {  	[sflag:s24] =	ssyncadd.s32 $0xFFFFC000  }
0x7f: {  	[tilespmem:s23], [sflag:$0x2] =	stream.linear.gather [spmem:s17], $0x4000, $0x38;
	[tilespmem:$0x18100] =	vst v63  }
0x80: {  	_ =	swait.ge [sflag:s24], $0x4000  }
0x81: {  	[sflag:s24] =	ssyncset.done $0x0  }
0x82: {  	[sflag:s24] =	ssyncadd.s32 $0xFFFFC000  }
0x83: {  	[hbm4b:s18+s4] =	stream.linear.scatter [tilespmem:s23], [sflag:$0x2], $0x4000, $0x38;
	[tilespmem:$0x18100] =	vst v63  }
0x84: {  	_ =	swait.ge [sflag:s24], $0x4000  }
0x85: {  	[sflag:s24] =	ssyncset.done $0x0  }
0x86: {  	[sflag:s24] =	ssyncadd.s32 $0xFFFFC000  }
0x87: {  	[tilespmem:s23], [sflag:$0x2] =	stream.linear.gather [spmem:s19], $0x4000, $0x38;
	[tilespmem:$0x18100] =	vst v63  }
0x88: {  	_ =	swait.ge [sflag:s24], $0x4000  }
0x89: {  	[sflag:s24] =	ssyncset.done $0x0  }
0x8a: {  	[sflag:s24] =	ssyncadd.s32 $0xFFFFC000  }
0x8b: {  	[hbm4b:s20+s4] =	stream.linear.scatter [tilespmem:s23], [sflag:$0x2], $0x4000, $0x38;
	[tilespmem:$0x18100] =	vst v63  }
0x8c: {  	_ =	swait.ge [sflag:s24], $0x4000  }
0x8d: {  	[sflag:s24] =	ssyncset.done $0x0  }
0x8e: {  	[sflag:s24] =	ssyncadd.s32 $0xFFFFC000  }
0x8f: {  	[tilespmem:s23], [sflag:$0x2] =	stream.linear.gather [spmem:s21], $0x4000, $0x38;
	[tilespmem:$0x18100] =	vst v63  }
0x90: {  	s28 =	sadd.s32 $0x1, s28;
	_ =	swait.ge [sflag:s24], $0x4000  }
0x91: {  	p0 =	sne.s32 s28, s9;
	[sflag:s24] =	ssyncset.done $0x0  }
.Ltmp2:
0x92: {  	[sflag:s24] =	ssyncadd.s32 $0xFFFFC000;
	(pc) =	sbr.rel @p0 .LBB2_1-.Ltmp2, $4  }
0x93: {  	[hbm4b:s22+s4] =	stream.linear.scatter [tilespmem:s23], [sflag:$0x2], $0x4000, $0x38;
	[tilespmem:$0x18100] =	vst v63  }
0x94: {  	_ =	swait.ge [sflag:s24], $0x4000  }
0x95: {  	[sflag:s24] =	ssyncset.done $0x0  }
0x96: {  	[sflag:s24] =	ssyncadd.s32 $0xFFFFC000  }
0x97: {  	_ =	sfence.sel $0x180000  }
0x98: {  	[bflag:$0x0] =	sbarrier.arrive $0xFFFF  }
0x99: {  	_ =	strace $0x9000004A  }
0x9a: {  	[bflag:$0x2] =	sbarrier.arrive $0xFFFF  }
0x9b: {  	p0 =	sne.s32 s3, $0x0;
	s0 =	rddreg [dreg:$0x3]  }
0x9c: {  	s0 =	sadd.s32 @!p0 $0x100000, s0  }
0x9d: {  	[sflag:s0] =	ssyncadd.tile.s32 @!p0 $0x1;
	_ =	shalt  }
.Lfunc_end2:
_tile_overlayer_lowered:
.L_overlay_start_2:
0x9e: {  	(tag) =	ssettag $0x2  }
0x9f: {  	s0 =	rddreg [dreg:$0x0];
	s2 =	stileid.u32  }
0xa0: {  	s1 =	rddreg [dreg:$0x1];
	p0 =	sne.s32 s2, $0x0  }
0xa1: {  	s3 =	rddreg [dreg:$0x2];
	[bflag:$0x3] =	sbarrier.arrive $0xFFFF;
	s2 =	simm.s32 @!p0 $0x1C02  }
0xa2: {  	[timem:s3], [sflag:s2] =	dma.local @!p0 [hbm:s0], s1  }
0xa3: {  	s0 =	simm.s32 @!p0 $0x2  }
0xa4: {  	_ =	swait.ge @!p0 [sflag:s0], s1  }
0xa5: {  	s1 =	ssub.s32 @!p0 $0x0, s1;
	[sflag:s0] =	ssyncset.done @!p0 $0x0  }
0xa6: {  	[sflag:s0] =	ssyncadd.s32 @!p0 s1  }
0xa7: {  	[bflag:$0x3] =	sbarrier.arrive $0xFFFF  }
0xa8: {  	_ =	shalt  }

// kernel: kernel.14.cloned.1.call-start
scs
__scs_entry_jumppad:
0x0: {  	(pc) =	sbr.rel $0x88, $3  }
0x1: {  	(tag) =	ssettag $0x0;
	lr =	simm.s32 $0x1  }
0x2: {  	[smem:$0x3F9B] =	sst lr;
	_ =	strace $0xD0000000  }
0x3: {  	_ = 	snop  }
0x4: {  	_ = 	snop  }
0x5: {  	_ = 	snop  }
0x6: {  	_ = 	snop  }
0x7: {  	_ = 	snop  }
__scs_overlays_trampoline_lowered:
0x8: {  	[smem:$0x3FAA] =	sst s0  }
0x9: {  	[smem:$0x3FAB] =	sst s1  }
0xa: {  	[smem:$0x3FAC] =	sst s2  }
0xb: {  	[smem:$0x3FAD] =	sst s3  }
0xc: {  	[smem:$0x3FAE] =	sst s4  }
0xd: {  	[smem:$0x3FAF] =	sst s5  }
0xe: {  	[smem:$0x3FB0] =	sst s6  }
0xf: {  	[smem:$0x3FB1] =	sst s7  }
0x10: {  	[smem:$0x3FB2] =	sst s8  }
0x11: {  	[smem:$0x3FB3] =	sst s9;
	s0 =	simm.s32 @!p0 $0x0  }
0x12: {  	s1 =	sld [smem:$0x3F99];
	s0 =	simm.s32 @p0 $0x1  }
0x13: {  	[smem:$0x3FB4] =	sst s0;
	s0 =	simm.s32 @!p1 $0x0  }
0x14: {  	s2 =	sld [smem:$0x3F98];
	s0 =	simm.s32 @p1 $0x1  }
0x15: {  	[smem:$0x3FB5] =	sst s0;
	s0 =	simm.s32 @!p2 $0x0  }
0x16: {  	s3 =	sld [smem:$0x3FDB];
	s0 =	simm.s32 @p2 $0x1  }
0x17: {  	s4 =	simm.s32 $0x1BF5;
	[smem:$0x3FB7] =	sst s0  }
0x18: {  	s0 =	sld [smem:$0x3F9A];
	_ =	swait.ge [sflag:s4], $0x0  }
0x19: {  	s7 =	sld [smem:$0x3F9B]  }
0x1a: {  	s8 =	sadd.s32 $0xFFFFE003, lr  }
0x1b: {  	s9 =	sadd.s32 $0xFFFFFEF7, lr;
	s5 =	simm.s32 $0xFFFFFFFF;
	p2 =	slt.u32 s8, $0xFFFFF086  }
0x1c: {  	p1 =	slt.u32 s9, $0xF7A;
	s5 =	simm.s32 @!p2 $0x0  }
0x1d: {  	s5 =	simm.s32 @p1 $0x1;
	p0 =	seq.s32 s7, s2  }
0x1e: {  	s7 =	smul.u32 @!p0 $0xF7A, s2;
	p2 =	seq.s32 @!p0 s5, $0x0  }
0x1f: {  	s9 =	smul.u32 $0xF7A, s1;
	s8 =	simm.s32 @!p0 $0x1BF5;
	p2 =	por !p2, p0  }
0x20: {  	[sflag:s8] =	ssyncset.s32 @!p0 $0xFFFFF086;
	s6 =	sadd.s32 @!p0 s3, s7;
	s7 =	simm.s32 @!p0 $0x108  }
0x21: {  	s3 =	sadd.s32 s3, s9;
	s6 =	sadd.s32 @!p0 $0x88, s6;
	s7 =	simm.s32 @p2 $0x1082  }
0x22: {  	[simem:s7], [sflag:s8] =	dma.local @!p0 [hbm:s6], $0xF7A  }
0x23: {  	s9 =	sor.u32 $0xD0000000, s2;
	s6 =	simm.s32 $0x108;
	_ =	swait.ge @!p0 [sflag:s8], $0x0  }
0x24: {  	s3 =	sadd.s32 $0x88, s3;
	s6 =	simm.s32 @!p1 $0x1082;
	[sflag:s4] =	ssyncset.s32 $0xFFFFF086  }
0x25: {  	[simem:s6], [sflag:s4] =	dma.local [hbm:s3], $0xF7A  }
0x26: {  	[smem:$0x3F9B] =	sst s1;
	(tag) =	ssettag s2;
	_ =	strace s9  }
0x27: {  	s1 =	sld [smem:$0x3FAB]  }
0x28: {  	s2 =	sld [smem:$0x3FAC]  }
0x29: {  	s4 =	sld [smem:$0x3FAE]  }
0x2a: {  	p0 =	seq.s32 s5, $0x0;
	s5 =	sld [smem:$0x3FAF]  }
0x2b: {  	s6 =	sld [smem:$0x3FB0]  }
0x2c: {  	s7 =	sld [smem:$0x3FB1]  }
0x2d: {  	s3 =	simm.s32 $0x108;
	s8 =	sld [smem:$0x3FB2]  }
0x2e: {  	s3 =	simm.s32 @!p0 $0x1082;
	s9 =	sld [smem:$0x3FB3]  }
0x2f: {  	lr =	sadd.s32 s0, s3;
	s0 =	sld [smem:$0x3FAA]  }
0x30: {  	s3 =	sld [smem:$0x3FAD]  }
0x31: {  	[smem:$0x3FB6] =	sst s10  }
0x32: {  	s10 =	sld [smem:$0x3FB4];
	_ =	sdelay $0x3  }
0x33: {  	p0 =	seq.s32 s10, $0x1;
	s10 =	sld [smem:$0x3FB6];
	_ =	sdelay $0x3  }
0x34: {  	[smem:$0x3FB6] =	sst s10  }
0x35: {  	s10 =	sld [smem:$0x3FB5];
	_ =	sdelay $0x3  }
0x36: {  	p1 =	seq.s32 s10, $0x1;
	s10 =	sld [smem:$0x3FB6];
	_ =	sdelay $0x3  }
0x37: {  	[smem:$0x3FB6] =	sst s10  }
0x38: {  	s10 =	sld [smem:$0x3FB7]  }
0x39: {  	_ = 	snop;
	(pc) =	sbr.ind lr, $3  }
0x3a: {  	_ = 	snop  }
0x3b: {  	_ = 	snop  }
0x3c: {  	p2 =	seq.s32 s10, $0x1;
	s10 =	sld [smem:$0x3FB6]  }
0x3d: {  	_ =	shalt  }
0x3e: {  	_ =	shalt  }
0x3f: {  	_ =	shalt  }
0x40: {  	_ =	shalt  }
0x41: {  	_ =	shalt  }
0x42: {  	_ =	shalt  }
0x43: {  	_ =	shalt  }
0x44: {  	_ =	shalt  }
0x45: {  	_ =	shalt  }
0x46: {  	_ =	shalt  }
0x47: {  	_ =	shalt  }
0x48: {  	_ =	shalt  }
0x49: {  	_ =	shalt  }
0x4a: {  	_ =	shalt  }
0x4b: {  	_ =	shalt  }
0x4c: {  	_ =	shalt  }
0x4d: {  	_ =	shalt  }
0x4e: {  	_ =	shalt  }
0x4f: {  	_ =	shalt  }
0x50: {  	_ =	shalt  }
0x51: {  	_ =	shalt  }
0x52: {  	_ =	shalt  }
0x53: {  	_ =	shalt  }
0x54: {  	_ =	shalt  }
0x55: {  	_ =	shalt  }
0x56: {  	_ =	shalt  }
0x57: {  	_ =	shalt  }
0x58: {  	_ =	shalt  }
0x59: {  	_ =	shalt  }
0x5a: {  	_ =	shalt  }
0x5b: {  	_ =	shalt  }
0x5c: {  	_ =	shalt  }
0x5d: {  	_ =	shalt  }
0x5e: {  	_ =	shalt  }
0x5f: {  	_ =	shalt  }
0x60: {  	_ =	shalt  }
0x61: {  	_ =	shalt  }
0x62: {  	_ =	shalt  }
0x63: {  	_ =	shalt  }
0x64: {  	_ =	shalt  }
0x65: {  	_ =	shalt  }
0x66: {  	_ =	shalt  }
0x67: {  	_ =	shalt  }
0x68: {  	_ =	shalt  }
0x69: {  	_ =	shalt  }
0x6a: {  	_ =	shalt  }
0x6b: {  	_ =	shalt  }
0x6c: {  	_ =	shalt  }
0x6d: {  	_ =	shalt  }
0x6e: {  	_ =	shalt  }
0x6f: {  	_ =	shalt  }
0x70: {  	_ =	shalt  }
0x71: {  	_ =	shalt  }
0x72: {  	_ =	shalt  }
0x73: {  	_ =	shalt  }
0x74: {  	_ =	shalt  }
0x75: {  	_ =	shalt  }
0x76: {  	_ =	shalt  }
0x77: {  	_ =	shalt  }
0x78: {  	_ =	shalt  }
0x79: {  	_ =	shalt  }
0x7a: {  	_ =	shalt  }
0x7b: {  	_ =	shalt  }
0x7c: {  	_ =	shalt  }
0x7d: {  	_ =	shalt  }
0x7e: {  	_ =	shalt  }
0x7f: {  	_ =	shalt  }
0x80: {  	_ =	shalt  }
0x81: {  	_ =	shalt  }
0x82: {  	_ =	shalt  }
0x83: {  	_ =	shalt  }
0x84: {  	_ =	shalt  }
0x85: {  	_ =	shalt  }
0x86: {  	_ =	shalt  }
0x87: {  	_ =	shalt  }
.Lfunc_end0:
.L_simem_size_0:
called_computation.2_lowered:
.L_overlay_start_0:
0x88: {  	s2 =	sld [smem:$0x3FD9]  }
0x89: {  	s3 =	sld [smem:$0x3FFE];
	_ =	sdelay $0x1  }
0x8a: {  	s1 =	srdreg.scid  }
0x8b: {  	s0 =	sand.u32 $0x1, s1  }
0x8c: {  	s17 =	sshll.u32 s0, $0xA;
	s2 =	sadd.s32 s3, s2  }
0x8d: {  	s2 =	sadd.s32 s2, s17  }
0x8e: {  	[smem:$0x3FC2] =	sst s2  }
0x8f: {  	_ = 	snop  }
0x90: {  	s2 =	sld [smem:$0x3FD0];
	(tm) =	ssettm $0x1  }
0x91: {  	s18 =	sld [smem:$0x3FFB];
	_ =	sdelay $0x3  }
0x92: {  	_ =	strace s18  }
0x93: {  	s3 =	sld [smem:$0x3FFC];
	_ =	sdelay $0x3  }
0x94: {  	_ =	strace s3  }
0x95: {  	s3 =	sld [smem:$0x3FFD];
	_ =	sdelay $0x3  }
0x96: {  	_ =	strace s3  }
0x97: {  	_ =	strace $0x8FFFFFFF  }
0x98: {  	s19 =	sld [smem:$0x3FDB];
	_ =	sdelay $0x1  }
0x99: {  	s4 =	simm.s32 $_scs_section_size  }
0x9a: {  	s5 =	simm.s32 $_size__tile_overlayer_lowered;
	s6 =	simm.s32 $_tile_overlayer_lowered  }
0x9b: {  	s22 =	simm.s32 $0x1BFF;
	s21 =	sshll.u32 s6, $0x1;
	s3 =	sadd.s32 s4, s19  }
0x9c: {  	s7 =	simm.s32 $0x0;
	s20 =	sshll.u32 s5, $0x1;
	s5 =	sadd.s32 s21, s3  }
0x9d: {  	[timem:s7], [sflag:s22] =	dma.local [hbm:s5], s20  }
0x9e: {  	_ =	swait.ge [sflag:s22], s20  }
0x9f: {  	s4 =	ssub.s32 $0x0, s20;
	[sflag:s22] =	ssyncset.done $0x0  }
0xa0: {  	[sflag:s22] =	ssyncadd.s32 s4;
	_ =	sdelay $0x1  }
0xa1: {  	s23 =	simm.s32 $0x1B8B  }
0xa2: {  	_ =	swait.ge [sflag:s23], $0x1  }
0xa3: {  	[sflag:s23] =	ssyncset.done $0x0  }
0xa4: {  	s25 =	simm.s32 $0x1B8E;
	s24 =	sld [smem:$0x3FFE];
	[sflag:s23] =	ssyncadd.s32 $0xFFFFFFFF  }
0xa5: {  	s26 =	simm.s32 $execute0_lowered;
	[smem:$0x3FD2] =	sst s25  }
0xa6: {  	s5 =	sshll.u32 s26, $0x1;
	_ =	strace $0x8000004C;
	[dreg:$0x1] =	wrdreg $0xFFFFFFFF  }
0xa7: {  	s28 =	simm.s32 $_size_execute0_lowered;
	s3 =	sadd.s32 s3, s5;
	[dreg:$0x0] =	wrdreg $0x0  }
0xa8: {  	s5 =	sshll.u32 s28, $0x1;
	[dreg:$0x2] =	wrdreg s3  }
0xa9: {  	[dreg:$0x3] =	wrdreg s5  }
0xaa: {  	[dreg:$0x4] =	wrdreg $0xC0  }
0xab: {  	_ =	task [dreg:s7], $0x5FFFF  }
0xac: {  	[dreg:$0x1] =	wrdreg $0xFFFFFFFF  }
0xad: {  	[dreg:$0x0] =	wrdreg $0x60  }
0xae: {  	[dreg:$0x2] =	wrdreg s2  }
0xaf: {  	[dreg:$0x3] =	wrdreg s24  }
0xb0: {  	[dreg:$0x4] =	wrdreg $0x41000  }
0xb1: {  	[dreg:$0x5] =	wrdreg $0x9  }
0xb2: {  	_ =	task.clear_ibuf [dreg:s7], $0x6FFFF;
	_ =	strace $0x9000004C  }
0xb3: {  	s29 =	simm.s32 $0x9;
	_ =	strace $0x8000004E  }
0xb4: {  	_ =	swait.ge [sflag:s29], $0x1  }
0xb5: {  	[sflag:s29] =	ssyncadd.s32 $0xFFFFFFFF  }
0xb6: {  	_ =	strace $0x9000004E  }
0xb7: {  	_ =	sfence  }
0xb8: {  	s30 =	sld [smem:$0x0];
	_ =	sdelay $0x2  }
0xb9: {  	s31 =	sshll.u32 s1, $0xD;
	s1 =	sshrl.u32 s1, $0x2  }
0xba: {  	s3 =	sand.u32 $0x4000, s31;
	s1 =	sadd.s32 s1, s30  }
0xbb: {  	s0 =	sor.u32 s3, s0;
	s1 =	sshll.u32 s1, $0x11  }
0xbc: {  	s0 =	sor.u32 s1, s0  }
0xbd: {  	s0 =	sadd.s32 $0x8F2B, s0  }
0xbe: {  	[sflag:s0] =	ssyncadd.remote.s32 $0x1  }
0xbf: {  	_ =	sfence.sel $0xFFFF  }
0xc0: {  	[dreg:$0x0] =	wrdreg $0xFFFFFFFF;
	(pc) =	sbr.abs _section_cstart, $3  }
0xc1: {  	[dreg:$0x1] =	wrdreg $0xFFFFFFFF  }
0xc2: {  	_ =	task.clear_ibuf [dreg:s7], $0x2FFFF;
	_ =	strace $0x9FFFFFFF  }
0xc3: {  	(tm) =	ssettm $0x7FFFFFFF  }
tec
execute0_lowered:
.L_overlay_start_1:
0x0: {  	(tag) =	ssettag $0x1  }
0x1: {  	s1 =	rddreg [dreg:$0x0]  }
0x2: {  	s7 =	rddreg [dreg:$0x1]  }
0x3: {  	s2 =	rddreg [dreg:$0x2];
	s4 =	simm.s32 $0x0;
	s3 =	stileid.u32  }
0x4: {  	s6 =	srdreg.scid;
	s25 =	simm.s32 $0x80;
	s9 =	smul.u32 $0x50000, s3  }
0x5: {  	s28 =	simm.s32 $0x0;
	[smem:$0x7FF] =	sst s4;
	s12 =	smul.u32 $0x2800, s3  }
0x6: {  	s5 =	sadd.s32 $0x2400, s7;
	s8 =	sand.u32 $0x1, s6;
	s19 =	smul.u32 $0x14000, s3  }
0x7: {  	s6 =	sadd.s32 $0xC400, s7;
	s22 =	sadd.s32 $0x34400, s7;
	s11 =	smul.u32 $0x28000, s8  }
0x8: {  	_ =	strace $0x8000004D;
	s10 =	ssub.s32 $0x2, s8;
	s20 =	smul.u32 $0x140000, s8  }
0x9: {  	s26 =	sshrl.u32 s10, $0x1;
	s29 =	sshrl.u32 s9, $0x2;
	s15 =	sadd.s32 $0x4000, s19  }
0xa: {  	s17 =	sadd.s32 $0x8000, s19;
	s21 =	sadd.s32 $0xC000, s19;
	s24 =	sadd.s32 $0x10000, s19  }
0xb: {  	s10 =	ssub.s32 s10, s26;
	s7 =	sadd.s32 s29, s2;
	s8 =	sadd.s32 s12, s11  }
0xc: {  	s14 =	sadd.s32 s20, s19;
	s16 =	sadd.s32 s20, s15;
	s15 =	sadd.s32 s15, s2  }
0xd: {  	s18 =	sadd.s32 s20, s17;
	s17 =	sadd.s32 s17, s2;
	s23 =	sadd.s32 s20, s21  }
0xe: {  	s19 =	sadd.s32 s21, s2;
	s31 =	sadd.s32 s20, s24;
	s21 =	sadd.s32 s24, s2  }
0xf: {  	s24 =	simm.s32 $0x2;
	s26 =	simm.s32 $0x1;
	s9 =	smax.u32 s10, $0x1  }
0x10: {  	s10 =	sadd.s32 $0x4000, s7;
	s11 =	sadd.s32 $0x8000, s7;
	s12 =	sadd.s32 $0xC000, s7  }
0x11: {  	s13 =	sadd.s32 $0x10000, s7;
	s14 =	sshrl.u32 s14, $0x3;
	s16 =	sshrl.u32 s16, $0x3  }
0x12: {  	s18 =	sshrl.u32 s18, $0x3;
	s30 =	sshrl.u32 s23, $0x3;
	s23 =	sshrl.u32 s31, $0x3  }
0x13: {  	s14 =	sadd.s32 s22, s14;
	s16 =	sadd.s32 s22, s16;
	s18 =	sadd.s32 s22, s18  }
0x14: {  	v0 =	vimm.f32 $0.0e+00;
	s20 =	sadd.s32 s22, s30;
	s22 =	sadd.s32 s22, s23;
	s23 =	simm.s32 $0x100  }
.LBB2_1:
0x15: {  	s29 =	simm.s32 $0x0;
	s30 =	simm.s32 $0x200  }
.LBB2_2:
0x16: {  	p0 =	sne.s32 s30, $0xFE00;
	[tilespmem:s29+$0x170] =	vst v0  }
0x17: {  	[tilespmem:s29+$0x100] =	vst v0  }
0x18: {  	[tilespmem:s29+$0x110] =	vst v0  }
.Ltmp0:
0x19: {  	[tilespmem:s29+$0x120] =	vst v0;
	(pc) =	sbr.rel @p0 .LBB2_2-.Ltmp0, $4  }
0x1a: {  	[tilespmem:s29+$0x130] =	vst v0  }
0x1b: {  	[tilespmem:s29+$0x140] =	vst v0  }
0x1c: {  	[tilespmem:s29+$0x150] =	vst v0  }
0x1d: {  	[tilespmem:s29+$0x160] =	vst v0;
	s29 =	sshra.s32 s30, $0x2;
	s30 =	sadd.s32 $0x200, s30  }
0x1e: {  	[tilespmem:s29+$0x170] =	vst v0  }
0x1f: {  	[tilespmem:s29+$0x100] =	vst v0  }
0x20: {  	[tilespmem:s29+$0x110] =	vst v0  }
0x21: {  	[tilespmem:s29+$0x120] =	vst v0  }
0x22: {  	[tilespmem:s29+$0x130] =	vst v0  }
0x23: {  	[tilespmem:s29+$0x140] =	vst v0  }
0x24: {  	[tilespmem:s29+$0x150] =	vst v0  }
0x25: {  	[tilespmem:s29+$0x160] =	vst v0  }
0x26: {  	[spmem:s7] =	stream.linear.scatter [tilespmem:s23], [sflag:$0x2], $0x4000, $0x38;
	[tilespmem:$0x18100] =	vst v63  }
0x27: {  	_ =	swait.ge [sflag:s24], $0x4000  }
0x28: {  	[sflag:s24] =	ssyncset.done $0x0  }
0x29: {  	[sflag:s24] =	ssyncadd.s32 $0xFFFFC000  }
0x2a: {  	[spmem:s10] =	stream.linear.scatter [tilespmem:s23], [sflag:$0x2], $0x4000, $0x38;
	[tilespmem:$0x18100] =	vst v63  }
0x2b: {  	_ =	swait.ge [sflag:s24], $0x4000  }
0x2c: {  	[sflag:s24] =	ssyncset.done $0x0  }
0x2d: {  	[sflag:s24] =	ssyncadd.s32 $0xFFFFC000  }
0x2e: {  	[spmem:s11] =	stream.linear.scatter [tilespmem:s23], [sflag:$0x2], $0x4000, $0x38;
	[tilespmem:$0x18100] =	vst v63  }
0x2f: {  	_ =	swait.ge [sflag:s24], $0x4000  }
0x30: {  	[sflag:s24] =	ssyncset.done $0x0  }
0x31: {  	[sflag:s24] =	ssyncadd.s32 $0xFFFFC000  }
0x32: {  	[spmem:s12] =	stream.linear.scatter [tilespmem:s23], [sflag:$0x2], $0x4000, $0x38;
	[tilespmem:$0x18100] =	vst v63  }
0x33: {  	_ =	swait.ge [sflag:s24], $0x4000  }
0x34: {  	s29 =	simm.s32 $0x0;
	[sflag:s24] =	ssyncset.done $0x0  }
0x35: {  	s30 =	sand.u32 $0x3C00, s29;
	[sflag:s24] =	ssyncadd.s32 $0xFFFFC000  }
0x36: {  	[spmem:s13] =	stream.linear.scatter [tilespmem:s23], [sflag:$0x2], $0x4000, $0x38;
	[tilespmem:$0x18100] =	vst v63  }
0x37: {  	s29 =	sand.u32 $0x380, s29;
	s30 =	sadd.s32 s30, s8;
	_ =	swait.ge [sflag:s24], $0x4000  }
0x38: {  	s29 =	sor.u32 s29, s30;
	[sflag:s24] =	ssyncset.done $0x0  }
0x39: {  	s29 =	sshrl.u32 s29, $0x3;
	[sflag:s24] =	ssyncadd.s32 $0xFFFFC000  }
0x3a: {  	s30 =	sadd.s32 s1, s29;
	[bflag:$0x0] =	sbarrier.arrive $0xFFFF  }
0x3b: {  	[tilespmem:s4], [sflag:$0x2] =	stream.linear.gather [hbm4b:s30+s4], $0x80, $0x38;
	[tilespmem:$0x18100] =	vst v63  }
0x3c: {  	_ =	swait.ge [sflag:s24], $0x80  }
0x3d: {  	[sflag:s24] =	ssyncset.done $0x0  }
0x3e: {  	s29 =	sadd.s32 s5, s29;
	[sflag:s24] =	ssyncadd.s32 $0xFFFFFF80  }
0x3f: {  	[tilespmem:s25], [sflag:$0x2] =	stream.linear.gather [hbm4b:s29+s4], $0x80, $0x38;
	[tilespmem:$0x18100] =	vst v63  }
0x40: {  	_ =	swait.ge [sflag:s24], $0x80  }
0x41: {  	[sflag:s24] =	ssyncset.done $0x0  }
0x42: {  	[sflag:s24] =	ssyncadd.s32 $0xFFFFFF80  }
0x43: {  	[tilespmem:s23], [sflag:$0x1] =	stream.indirect.gather [hbm4b:s6+s25], $0x80, s4, s25, $0xb8;
	[tilespmem:$0x18100] =	vst v63  }
0x44: {  	_ =	swait.ge [sflag:s26], $0x4000  }
0x45: {  	s29 =	simm.s32 $0x80;
	[sflag:s26] =	ssyncset.done $0x0  }
0x46: {  	s30 =	sand.u32 $0x3C00, s29;
	[sflag:s26] =	ssyncadd.s32 $0xFFFFC000  }
0x47: {  	[spmem:s2] =	stream.indirect.scatter.add.f32 [tilespmem:s23], [sflag:$0x2], $0x80, s25, s25, $0xb8;
	[tilespmem:$0x18100] =	vst v63  }
0x48: {  	s31 =	sand.u32 $0x380, s29;
	s30 =	sadd.s32 s30, s8;
	_ =	swait.ge [sflag:s24], $0x4000  }
0x49: {  	s29 =	simm.s32 $0x100;
	s30 =	sor.u32 s31, s30;
	[sflag:s24] =	ssyncset.done $0x0  }
.LBB2_4:
0x4a: {  	s30 =	sshrl.u32 s30, $0x3  }
0x4b: {  	[sflag:s24] =	ssyncadd.s32 $0xFFFFC000;
	s31 =	smov.u32 s29;
	s0 =	sadd.s32 $0x80, s29  }
0x4c: {  	p0 =	sne.s32 s29, $0x2700;
	s29 =	sadd.s32 s1, s30  }
0x4d: {  	[tilespmem:s4], [sflag:$0x2] =	stream.linear.gather [hbm4b:s29+s4], $0x80, $0x38;
	[tilespmem:$0x18100] =	vst v63  }
0x4e: {  	_ =	swait.ge [sflag:s24], $0x80  }
0x4f: {  	[sflag:s24] =	ssyncset.done $0x0  }
0x50: {  	s29 =	sadd.s32 s5, s30;
	[sflag:s24] =	ssyncadd.s32 $0xFFFFFF80  }
0x51: {  	[tilespmem:s25], [sflag:$0x2] =	stream.linear.gather [hbm4b:s29+s4], $0x80, $0x38;
	[tilespmem:$0x18100] =	vst v63  }
0x52: {  	_ =	swait.ge [sflag:s24], $0x80  }
0x53: {  	[sflag:s24] =	ssyncset.done $0x0  }
0x54: {  	[sflag:s24] =	ssyncadd.s32 $0xFFFFFF80  }
0x55: {  	[tilespmem:s23], [sflag:$0x1] =	stream.indirect.gather [hbm4b:s6+s25], $0x80, s4, s25, $0xb8;
	[tilespmem:$0x18100] =	vst v63  }
0x56: {  	_ =	swait.ge [sflag:s26], $0x4000  }
.Ltmp1:
0x57: {  	[sflag:s26] =	ssyncset.done $0x0;
	(pc) =	sbr.rel @p0 .LBB2_4-.Ltmp1, $4  }
0x58: {  	s29 =	sand.u32 $0x3C00, s31;
	[sflag:s26] =	ssyncadd.s32 $0xFFFFC000  }
0x59: {  	[spmem:s2] =	stream.indirect.scatter.add.f32 [tilespmem:s23], [sflag:$0x2], $0x80, s25, s25, $0xb8;
	[tilespmem:$0x18100] =	vst v63  }
0x5a: {  	s30 =	sand.u32 $0x380, s31;
	s29 =	sadd.s32 s29, s8;
	_ =	swait.ge [sflag:s24], $0x4000  }
0x5b: {  	s30 =	sor.u32 s30, s29;
	s29 =	smov.u32 s0;
	[sflag:s24] =	ssyncset.done $0x0  }
0x5c: {  	s0 =	sshrl.u32 s30, $0x3  }
0x5d: {  	[sflag:s24] =	ssyncadd.s32 $0xFFFFC000;
	s29 =	sadd.s32 s1, s0  }
0x5e: {  	[tilespmem:s4], [sflag:$0x2] =	stream.linear.gather [hbm4b:s29+s4], $0x80, $0x38;
	[tilespmem:$0x18100] =	vst v63  }
0x5f: {  	_ =	swait.ge [sflag:s24], $0x80  }
0x60: {  	[sflag:s24] =	ssyncset.done $0x0  }
0x61: {  	s0 =	sadd.s32 s5, s0;
	[sflag:s24] =	ssyncadd.s32 $0xFFFFFF80  }
0x62: {  	[tilespmem:s25], [sflag:$0x2] =	stream.linear.gather [hbm4b:s0+s4], $0x80, $0x38;
	[tilespmem:$0x18100] =	vst v63  }
0x63: {  	_ =	swait.ge [sflag:s24], $0x80  }
0x64: {  	[sflag:s24] =	ssyncset.done $0x0  }
0x65: {  	[sflag:s24] =	ssyncadd.s32 $0xFFFFFF80  }
0x66: {  	[tilespmem:s23], [sflag:$0x1] =	stream.indirect.gather [hbm4b:s6+s25], $0x80, s4, s25, $0xb8;
	[tilespmem:$0x18100] =	vst v63  }
0x67: {  	_ =	swait.ge [sflag:s26], $0x4000  }
0x68: {  	[sflag:s26] =	ssyncset.done $0x0  }
0x69: {  	[sflag:s26] =	ssyncadd.s32 $0xFFFFC000  }
0x6a: {  	[spmem:s2] =	stream.indirect.scatter.add.f32 [tilespmem:s23], [sflag:$0x2], $0x80, s25, s25, $0xb8;
	[tilespmem:$0x18100] =	vst v63  }
0x6b: {  	_ =	swait.ge [sflag:s24], $0x4000  }
0x6c: {  	[sflag:s24] =	ssyncset.done $0x0  }
0x6d: {  	[sflag:s24] =	ssyncadd.s32 $0xFFFFC000  }
0x6e: {  	[bflag:$0x0] =	sbarrier.arrive $0xFFFF  }
0x6f: {  	[tilespmem:s23], [sflag:$0x2] =	stream.linear.gather [spmem:s7], $0x4000, $0x38;
	[tilespmem:$0x18100] =	vst v63  }
0x70: {  	_ =	swait.ge [sflag:s24], $0x4000  }
0x71: {  	[sflag:s24] =	ssyncset.done $0x0  }
0x72: {  	[sflag:s24] =	ssyncadd.s32 $0xFFFFC000  }
0x73: {  	[hbm4b:s14+s4] =	stream.linear.scatter [tilespmem:s23], [sflag:$0x2], $0x4000, $0x38;
	[tilespmem:$0x18100] =	vst v63  }
0x74: {  	_ =	swait.ge [sflag:s24], $0x4000  }
0x75: {  	[sflag:s24] =	ssyncset.done $0x0  }
0x76: {  	[sflag:s24] =	ssyncadd.s32 $0xFFFFC000  }
0x77: {  	[tilespmem:s23], [sflag:$0x2] =	stream.linear.gather [spmem:s15], $0x4000, $0x38;
	[tilespmem:$0x18100] =	vst v63  }
0x78: {  	_ =	swait.ge [sflag:s24], $0x4000  }
0x79: {  	[sflag:s24] =	ssyncset.done $0x0  }
0x7a: {  	[sflag:s24] =	ssyncadd.s32 $0xFFFFC000  }
0x7b: {  	[hbm4b:s16+s4] =	stream.linear.scatter [tilespmem:s23], [sflag:$0x2], $0x4000, $0x38;
	[tilespmem:$0x18100] =	vst v63  }
0x7c: {  	_ =	swait.ge [sflag:s24], $0x4000  }
0x7d: {  	[sflag:s24] =	ssyncset.done $0x0  }
0x7e: {  	[sflag:s24] =	ssyncadd.s32 $0xFFFFC000  }
0x7f: {  	[tilespmem:s23], [sflag:$0x2] =	stream.linear.gather [spmem:s17], $0x4000, $0x38;
	[tilespmem:$0x18100] =	vst v63  }
0x80: {  	_ =	swait.ge [sflag:s24], $0x4000  }
0x81: {  	[sflag:s24] =	ssyncset.done $0x0  }
0x82: {  	[sflag:s24] =	ssyncadd.s32 $0xFFFFC000  }
0x83: {  	[hbm4b:s18+s4] =	stream.linear.scatter [tilespmem:s23], [sflag:$0x2], $0x4000, $0x38;
	[tilespmem:$0x18100] =	vst v63  }
0x84: {  	_ =	swait.ge [sflag:s24], $0x4000  }
0x85: {  	[sflag:s24] =	ssyncset.done $0x0  }
0x86: {  	[sflag:s24] =	ssyncadd.s32 $0xFFFFC000  }
0x87: {  	[tilespmem:s23], [sflag:$0x2] =	stream.linear.gather [spmem:s19], $0x4000, $0x38;
	[tilespmem:$0x18100] =	vst v63  }
0x88: {  	_ =	swait.ge [sflag:s24], $0x4000  }
0x89: {  	[sflag:s24] =	ssyncset.done $0x0  }
0x8a: {  	[sflag:s24] =	ssyncadd.s32 $0xFFFFC000  }
0x8b: {  	[hbm4b:s20+s4] =	stream.linear.scatter [tilespmem:s23], [sflag:$0x2], $0x4000, $0x38;
	[tilespmem:$0x18100] =	vst v63  }
0x8c: {  	_ =	swait.ge [sflag:s24], $0x4000  }
0x8d: {  	[sflag:s24] =	ssyncset.done $0x0  }
0x8e: {  	[sflag:s24] =	ssyncadd.s32 $0xFFFFC000  }
0x8f: {  	[tilespmem:s23], [sflag:$0x2] =	stream.linear.gather [spmem:s21], $0x4000, $0x38;
	[tilespmem:$0x18100] =	vst v63  }
0x90: {  	s28 =	sadd.s32 $0x1, s28;
	_ =	swait.ge [sflag:s24], $0x4000  }
0x91: {  	p0 =	sne.s32 s28, s9;
	[sflag:s24] =	ssyncset.done $0x0  }
.Ltmp2:
0x92: {  	[sflag:s24] =	ssyncadd.s32 $0xFFFFC000;
	(pc) =	sbr.rel @p0 .LBB2_1-.Ltmp2, $4  }
0x93: {  	[hbm4b:s22+s4] =	stream.linear.scatter [tilespmem:s23], [sflag:$0x2], $0x4000, $0x38;
	[tilespmem:$0x18100] =	vst v63  }
0x94: {  	_ =	swait.ge [sflag:s24], $0x4000  }
0x95: {  	[sflag:s24] =	ssyncset.done $0x0  }
0x96: {  	[sflag:s24] =	ssyncadd.s32 $0xFFFFC000  }
0x97: {  	_ =	sfence.sel $0x180000  }
0x98: {  	[bflag:$0x0] =	sbarrier.arrive $0xFFFF  }
0x99: {  	_ =	strace $0x9000004D  }
0x9a: {  	[bflag:$0x2] =	sbarrier.arrive $0xFFFF  }
0x9b: {  	p0 =	sne.s32 s3, $0x0;
	s0 =	rddreg [dreg:$0x3]  }
0x9c: {  	s0 =	sadd.s32 @!p0 $0x100000, s0  }
0x9d: {  	[sflag:s0] =	ssyncadd.tile.s32 @!p0 $0x1;
	_ =	shalt  }
.Lfunc_end2:
_tile_overlayer_lowered:
.L_overlay_start_2:
0x9e: {  	(tag) =	ssettag $0x2  }
0x9f: {  	s0 =	rddreg [dreg:$0x0];
	s2 =	stileid.u32  }
0xa0: {  	s1 =	rddreg [dreg:$0x1];
	p0 =	sne.s32 s2, $0x0  }
0xa1: {  	s3 =	rddreg [dreg:$0x2];
	[bflag:$0x3] =	sbarrier.arrive $0xFFFF;
	s2 =	simm.s32 @!p0 $0x1C02  }
0xa2: {  	[timem:s3], [sflag:s2] =	dma.local @!p0 [hbm:s0], s1  }
0xa3: {  	s0 =	simm.s32 @!p0 $0x2  }
0xa4: {  	_ =	swait.ge @!p0 [sflag:s0], s1  }
0xa5: {  	s1 =	ssub.s32 @!p0 $0x0, s1;
	[sflag:s0] =	ssyncset.done @!p0 $0x0  }
0xa6: {  	[sflag:s0] =	ssyncadd.s32 @!p0 s1  }
0xa7: {  	[bflag:$0x3] =	sbarrier.arrive $0xFFFF  }
0xa8: {  	_ =	shalt  }

// kernel: kernel.8.cloned.1.call-start
scs
__scs_entry_jumppad:
0x0: {  	(pc) =	sbr.rel $0x88, $3  }
0x1: {  	(tag) =	ssettag $0x0;
	lr =	simm.s32 $0x1  }
0x2: {  	[smem:$0x3F9B] =	sst lr;
	_ =	strace $0xD0000000  }
0x3: {  	_ = 	snop  }
0x4: {  	_ = 	snop  }
0x5: {  	_ = 	snop  }
0x6: {  	_ = 	snop  }
0x7: {  	_ = 	snop  }
__scs_overlays_trampoline_lowered:
0x8: {  	[smem:$0x3FAA] =	sst s0  }
0x9: {  	[smem:$0x3FAB] =	sst s1  }
0xa: {  	[smem:$0x3FAC] =	sst s2  }
0xb: {  	[smem:$0x3FAD] =	sst s3  }
0xc: {  	[smem:$0x3FAE] =	sst s4  }
0xd: {  	[smem:$0x3FAF] =	sst s5  }
0xe: {  	[smem:$0x3FB0] =	sst s6  }
0xf: {  	[smem:$0x3FB1] =	sst s7  }
0x10: {  	[smem:$0x3FB2] =	sst s8  }
0x11: {  	[smem:$0x3FB3] =	sst s9;
	s0 =	simm.s32 @!p0 $0x0  }
0x12: {  	s1 =	sld [smem:$0x3F99];
	s0 =	simm.s32 @p0 $0x1  }
0x13: {  	[smem:$0x3FB4] =	sst s0;
	s0 =	simm.s32 @!p1 $0x0  }
0x14: {  	s2 =	sld [smem:$0x3F98];
	s0 =	simm.s32 @p1 $0x1  }
0x15: {  	[smem:$0x3FB5] =	sst s0;
	s0 =	simm.s32 @!p2 $0x0  }
0x16: {  	s3 =	sld [smem:$0x3FDB];
	s0 =	simm.s32 @p2 $0x1  }
0x17: {  	s4 =	simm.s32 $0x1BF5;
	[smem:$0x3FB7] =	sst s0  }
0x18: {  	s0 =	sld [smem:$0x3F9A];
	_ =	swait.ge [sflag:s4], $0x0  }
0x19: {  	s7 =	sld [smem:$0x3F9B]  }
0x1a: {  	s8 =	sadd.s32 $0xFFFFE003, lr  }
0x1b: {  	s9 =	sadd.s32 $0xFFFFFEF7, lr;
	s5 =	simm.s32 $0xFFFFFFFF;
	p2 =	slt.u32 s8, $0xFFFFF086  }
0x1c: {  	p1 =	slt.u32 s9, $0xF7A;
	s5 =	simm.s32 @!p2 $0x0  }
0x1d: {  	s5 =	simm.s32 @p1 $0x1;
	p0 =	seq.s32 s7, s2  }
0x1e: {  	s7 =	smul.u32 @!p0 $0xF7A, s2;
	p2 =	seq.s32 @!p0 s5, $0x0  }
0x1f: {  	s9 =	smul.u32 $0xF7A, s1;
	s8 =	simm.s32 @!p0 $0x1BF5;
	p2 =	por !p2, p0  }
0x20: {  	[sflag:s8] =	ssyncset.s32 @!p0 $0xFFFFF086;
	s6 =	sadd.s32 @!p0 s3, s7;
	s7 =	simm.s32 @!p0 $0x108  }
0x21: {  	s3 =	sadd.s32 s3, s9;
	s6 =	sadd.s32 @!p0 $0x88, s6;
	s7 =	simm.s32 @p2 $0x1082  }
0x22: {  	[simem:s7], [sflag:s8] =	dma.local @!p0 [hbm:s6], $0xF7A  }
0x23: {  	s9 =	sor.u32 $0xD0000000, s2;
	s6 =	simm.s32 $0x108;
	_ =	swait.ge @!p0 [sflag:s8], $0x0  }
0x24: {  	s3 =	sadd.s32 $0x88, s3;
	s6 =	simm.s32 @!p1 $0x1082;
	[sflag:s4] =	ssyncset.s32 $0xFFFFF086  }
0x25: {  	[simem:s6], [sflag:s4] =	dma.local [hbm:s3], $0xF7A  }
0x26: {  	[smem:$0x3F9B] =	sst s1;
	(tag) =	ssettag s2;
	_ =	strace s9  }
0x27: {  	s1 =	sld [smem:$0x3FAB]  }
0x28: {  	s2 =	sld [smem:$0x3FAC]  }
0x29: {  	s4 =	sld [smem:$0x3FAE]  }
0x2a: {  	p0 =	seq.s32 s5, $0x0;
	s5 =	sld [smem:$0x3FAF]  }
0x2b: {  	s6 =	sld [smem:$0x3FB0]  }
0x2c: {  	s7 =	sld [smem:$0x3FB1]  }
0x2d: {  	s3 =	simm.s32 $0x108;
	s8 =	sld [smem:$0x3FB2]  }
0x2e: {  	s3 =	simm.s32 @!p0 $0x1082;
	s9 =	sld [smem:$0x3FB3]  }
0x2f: {  	lr =	sadd.s32 s0, s3;
	s0 =	sld [smem:$0x3FAA]  }
0x30: {  	s3 =	sld [smem:$0x3FAD]  }
0x31: {  	[smem:$0x3FB6] =	sst s10  }
0x32: {  	s10 =	sld [smem:$0x3FB4];
	_ =	sdelay $0x3  }
0x33: {  	p0 =	seq.s32 s10, $0x1;
	s10 =	sld [smem:$0x3FB6];
	_ =	sdelay $0x3  }
0x34: {  	[smem:$0x3FB6] =	sst s10  }
0x35: {  	s10 =	sld [smem:$0x3FB5];
	_ =	sdelay $0x3  }
0x36: {  	p1 =	seq.s32 s10, $0x1;
	s10 =	sld [smem:$0x3FB6];
	_ =	sdelay $0x3  }
0x37: {  	[smem:$0x3FB6] =	sst s10  }
0x38: {  	s10 =	sld [smem:$0x3FB7]  }
0x39: {  	_ = 	snop;
	(pc) =	sbr.ind lr, $3  }
0x3a: {  	_ = 	snop  }
0x3b: {  	_ = 	snop  }
0x3c: {  	p2 =	seq.s32 s10, $0x1;
	s10 =	sld [smem:$0x3FB6]  }
0x3d: {  	_ =	shalt  }
0x3e: {  	_ =	shalt  }
0x3f: {  	_ =	shalt  }
0x40: {  	_ =	shalt  }
0x41: {  	_ =	shalt  }
0x42: {  	_ =	shalt  }
0x43: {  	_ =	shalt  }
0x44: {  	_ =	shalt  }
0x45: {  	_ =	shalt  }
0x46: {  	_ =	shalt  }
0x47: {  	_ =	shalt  }
0x48: {  	_ =	shalt  }
0x49: {  	_ =	shalt  }
0x4a: {  	_ =	shalt  }
0x4b: {  	_ =	shalt  }
0x4c: {  	_ =	shalt  }
0x4d: {  	_ =	shalt  }
0x4e: {  	_ =	shalt  }
0x4f: {  	_ =	shalt  }
0x50: {  	_ =	shalt  }
0x51: {  	_ =	shalt  }
0x52: {  	_ =	shalt  }
0x53: {  	_ =	shalt  }
0x54: {  	_ =	shalt  }
0x55: {  	_ =	shalt  }
0x56: {  	_ =	shalt  }
0x57: {  	_ =	shalt  }
0x58: {  	_ =	shalt  }
0x59: {  	_ =	shalt  }
0x5a: {  	_ =	shalt  }
0x5b: {  	_ =	shalt  }
0x5c: {  	_ =	shalt  }
0x5d: {  	_ =	shalt  }
0x5e: {  	_ =	shalt  }
0x5f: {  	_ =	shalt  }
0x60: {  	_ =	shalt  }
0x61: {  	_ =	shalt  }
0x62: {  	_ =	shalt  }
0x63: {  	_ =	shalt  }
0x64: {  	_ =	shalt  }
0x65: {  	_ =	shalt  }
0x66: {  	_ =	shalt  }
0x67: {  	_ =	shalt  }
0x68: {  	_ =	shalt  }
0x69: {  	_ =	shalt  }
0x6a: {  	_ =	shalt  }
0x6b: {  	_ =	shalt  }
0x6c: {  	_ =	shalt  }
0x6d: {  	_ =	shalt  }
0x6e: {  	_ =	shalt  }
0x6f: {  	_ =	shalt  }
0x70: {  	_ =	shalt  }
0x71: {  	_ =	shalt  }
0x72: {  	_ =	shalt  }
0x73: {  	_ =	shalt  }
0x74: {  	_ =	shalt  }
0x75: {  	_ =	shalt  }
0x76: {  	_ =	shalt  }
0x77: {  	_ =	shalt  }
0x78: {  	_ =	shalt  }
0x79: {  	_ =	shalt  }
0x7a: {  	_ =	shalt  }
0x7b: {  	_ =	shalt  }
0x7c: {  	_ =	shalt  }
0x7d: {  	_ =	shalt  }
0x7e: {  	_ =	shalt  }
0x7f: {  	_ =	shalt  }
0x80: {  	_ =	shalt  }
0x81: {  	_ =	shalt  }
0x82: {  	_ =	shalt  }
0x83: {  	_ =	shalt  }
0x84: {  	_ =	shalt  }
0x85: {  	_ =	shalt  }
0x86: {  	_ =	shalt  }
0x87: {  	_ =	shalt  }
.Lfunc_end0:
.L_simem_size_0:
called_computation_lowered:
.L_overlay_start_0:
0x88: {  	s2 =	sld [smem:$0x3FD9]  }
0x89: {  	s3 =	sld [smem:$0x3FFE];
	_ =	sdelay $0x1  }
0x8a: {  	s1 =	srdreg.scid  }
0x8b: {  	s0 =	sand.u32 $0x1, s1  }
0x8c: {  	s16 =	sshll.u32 s0, $0xA;
	s2 =	sadd.s32 s3, s2  }
0x8d: {  	s2 =	sadd.s32 s2, s16  }
0x8e: {  	[smem:$0x3FC2] =	sst s2  }
0x8f: {  	_ = 	snop  }
0x90: {  	(tm) =	ssettm $0x1  }
0x91: {  	s17 =	sld [smem:$0x3FFB];
	_ =	sdelay $0x3  }
0x92: {  	_ =	strace s17  }
0x93: {  	s2 =	sld [smem:$0x3FFC];
	_ =	sdelay $0x3  }
0x94: {  	_ =	strace s2  }
0x95: {  	s2 =	sld [smem:$0x3FFD];
	_ =	sdelay $0x3  }
0x96: {  	_ =	strace s2  }
0x97: {  	_ =	strace $0x8FFFFFFF  }
0x98: {  	s18 =	sld [smem:$0x3FDB];
	_ =	sdelay $0x1  }
0x99: {  	s19 =	simm.s32 $_scs_section_size  }
0x9a: {  	s4 =	simm.s32 $_size__tile_overlayer_lowered;
	s5 =	simm.s32 $_tile_overlayer_lowered  }
0x9b: {  	s22 =	simm.s32 $0x1BFF;
	s21 =	sshll.u32 s5, $0x1;
	s2 =	sadd.s32 s19, s18  }
0x9c: {  	s6 =	simm.s32 $0x0;
	s20 =	sshll.u32 s4, $0x1;
	s4 =	sadd.s32 s21, s2  }
0x9d: {  	[timem:s6], [sflag:s22] =	dma.local [hbm:s4], s20  }
0x9e: {  	_ =	swait.ge [sflag:s22], s20  }
0x9f: {  	s3 =	ssub.s32 $0x0, s20;
	[sflag:s22] =	ssyncset.done $0x0  }
0xa0: {  	[sflag:s22] =	ssyncadd.s32 s3;
	_ =	sdelay $0x1  }
0xa1: {  	s23 =	simm.s32 $0x1B8B  }
0xa2: {  	_ =	swait.ge [sflag:s23], $0x1  }
0xa3: {  	[sflag:s23] =	ssyncset.done $0x0  }
0xa4: {  	s25 =	simm.s32 $0x1B8E;
	s24 =	sld [smem:$0x3FFE];
	[sflag:s23] =	ssyncadd.s32 $0xFFFFFFFF  }
0xa5: {  	s26 =	simm.s32 $execute0_lowered;
	[smem:$0x3FD2] =	sst s25  }
0xa6: {  	s4 =	sshll.u32 s26, $0x1;
	_ =	strace $0x80000046;
	[dreg:$0x1] =	wrdreg $0xFFFFFFFF  }
0xa7: {  	s28 =	simm.s32 $_size_execute0_lowered;
	s2 =	sadd.s32 s2, s4;
	[dreg:$0x0] =	wrdreg $0x0  }
0xa8: {  	s4 =	sshll.u32 s28, $0x1;
	[dreg:$0x2] =	wrdreg s2  }
0xa9: {  	[dreg:$0x3] =	wrdreg s4  }
0xaa: {  	[dreg:$0x4] =	wrdreg $0xC0  }
0xab: {  	_ =	task [dreg:s6], $0x5FFFF  }
0xac: {  	[dreg:$0x1] =	wrdreg $0xFFFFFFFF  }
0xad: {  	[dreg:$0x0] =	wrdreg $0x60  }
0xae: {  	[dreg:$0x2] =	wrdreg s24  }
0xaf: {  	[dreg:$0x3] =	wrdreg $0x50000  }
0xb0: {  	[dreg:$0x4] =	wrdreg $0x9  }
0xb1: {  	_ =	task.clear_ibuf [dreg:s6], $0x5FFFF;
	_ =	strace $0x90000046  }
0xb2: {  	s29 =	simm.s32 $0x9;
	_ =	strace $0x80000048  }
0xb3: {  	_ =	swait.ge [sflag:s29], $0x1  }
0xb4: {  	[sflag:s29] =	ssyncadd.s32 $0xFFFFFFFF  }
0xb5: {  	_ =	strace $0x90000048  }
0xb6: {  	_ =	sfence  }
0xb7: {  	s30 =	sld [smem:$0x0];
	_ =	sdelay $0x2  }
0xb8: {  	s31 =	sshll.u32 s1, $0xD;
	s1 =	sshrl.u32 s1, $0x2  }
0xb9: {  	s3 =	sand.u32 $0x4000, s31;
	s1 =	sadd.s32 s1, s30  }
0xba: {  	s0 =	sor.u32 s3, s0;
	s1 =	sshll.u32 s1, $0x11  }
0xbb: {  	s0 =	sor.u32 s1, s0  }
0xbc: {  	s0 =	sadd.s32 $0x8F2B, s0  }
0xbd: {  	[sflag:s0] =	ssyncadd.remote.s32 $0x1  }
0xbe: {  	_ =	sfence.sel $0xFFFF  }
0xbf: {  	[dreg:$0x0] =	wrdreg $0xFFFFFFFF;
	(pc) =	sbr.abs _section_cstart, $3  }
0xc0: {  	[dreg:$0x1] =	wrdreg $0xFFFFFFFF  }
0xc1: {  	_ =	task.clear_ibuf [dreg:s6], $0x2FFFF;
	_ =	strace $0x9FFFFFFF  }
0xc2: {  	(tm) =	ssettm $0x7FFFFFFF  }
0xc3: {  	_ =	shalt  }
tec
execute0_lowered:
.L_overlay_start_1:
0x0: {  	(tag) =	ssettag $0x1  }
0x1: {  	s3 =	rddreg [dreg:$0x0]  }
0x2: {  	s0 =	srdreg.scid;
	s6 =	rddreg [dreg:$0x1]  }
0x3: {  	s1 =	rddreg [dreg:$0x2];
	s2 =	simm.s32 $0x0;
	s11 =	simm.s32 $0x400  }
0x4: {  	s12 =	simm.s32 $0x1400;
	s13 =	simm.s32 $0x14000;
	s4 =	sand.u32 $0x1, s0  }
0x5: {  	s14 =	simm.s32 $0x7800;
	s0 =	stileid.u32;
	s5 =	smul.u32 $0x28000, s4  }
0x6: {  	s15 =	simm.s32 $0x100;
	s16 =	simm.s32 $0xA000;
	s7 =	smul.u32 $0x2800, s0  }
0x7: {  	s17 =	simm.s32 $0x0;
	[smem:$0x7FF] =	sst s2;
	s25 =	smul.u32 $0x500, s0  }
0x8: {  	_ =	strace $0x80000047;
	s8 =	sshll.u32 s4, $0x7;
	s26 =	sshrl.u32 s0, $0x3  }
0x9: {  	s4 =	ssub.s32 $0x2, s4;
	s9 =	smul.u32 $0x5000, s0;
	s29 =	sshll.u32 s0, $0x7  }
0xa: {  	s28 =	sshrl.u32 s4, $0x1;
	s31 =	sand.u32 $0x380, s29;
	s5 =	sadd.s32 s7, s5  }
0xb: {  	s7 =	sor.u32 s8, s25;
	s8 =	smul.u32 $0x50000, s26;
	s10 =	ssub.s32 s4, s28  }
0xc: {  	s9 =	sshrl.u32 s9, $0x2;
	s5 =	sshrl.u32 s5, $0x3;
	s7 =	sshrl.u32 s7, $0x3  }
0xd: {  	s5 =	sadd.s32 s5, s3;
	s7 =	sadd.s32 s7, s3;
	s30 =	sshrl.u32 s8, $0x2  }
0xe: {  	s8 =	simm.s32 $0x1;
	s4 =	sadd.s32 s30, s6;
	s3 =	sadd.s32 $0x2400, s5  }
0xf: {  	s5 =	sadd.s32 s9, s6;
	s6 =	sadd.s32 $0xC400, s7;
	s7 =	smax.u32 s10, $0x1  }
0x10: {  	v0 =	vimm.f32 $0.0e+00;
	v1 =	vimm.f32 $1.000000000e+00;
	s9 =	simm.s32 $0x2800;
	s10 =	simm.s32 $0x80;
	s4 =	sadd.s32 s31, s4  }
.LBB2_1:
0x11: {  	s18 =	simm.s32 $0x40;
	s19 =	simm.s32 $0x0  }
.LBB2_2:
0x12: {  	p0 =	sne.s32 s18, $0x9FC0;
	[tilespmem:s19+$0x2800] =	vst v0;
	s19 =	smov.u32 s18;
	s18 =	sadd.s32 $0x40, s18  }
.Ltmp0:
0x13: {  	(pc) =	sbr.rel @p0 .LBB2_2-.Ltmp0, $2  }
0x14: {  	_ =	sdelay $0x2  }
0x15: {  	s19 =	sshra.s32 s19, $0x2  }
0x16: {  	[tilespmem:s19+$0x2800] =	vst v0  }
0x17: {  	[tilespmem:s2], [sflag:$0x1] =	stream.linear.gather [hbm4b:s3+s2], $0x2780, $0x38;
	[tilespmem:$0xA280] =	vst v63  }
0x18: {  	_ =	swait.ge [sflag:s8], $0x2780  }
0x19: {  	[sflag:s8] =	ssyncset.done $0x0  }
0x1a: {  	s18 =	simm.s32 $0x1C0;
	[sflag:s8] =	ssyncadd.s32 $0xFFFFD880  }
.LBB2_4:
0x1b: {  	s19 =	sshra.s32 s18, $0x2  }
0x1c: {  	v2 =	vld [tilespmem:s19+$0xFFFFFF90];
	_ =	sdelay $0x7  }
0x1d: {  	[tilespmem:v2+s9+$0x0] =	vst.idx.add.f32.msk $0xffff, v1  }
0x1e: {  	v2 =	vld [tilespmem:s19+$0xFFFFFFA0];
	_ =	sdelay $0x7  }
0x1f: {  	[tilespmem:v2+s9+$0x0] =	vst.idx.add.f32.msk $0xffff, v1  }
0x20: {  	v2 =	vld [tilespmem:s19+$0xFFFFFFB0];
	_ =	sdelay $0x7  }
0x21: {  	[tilespmem:v2+s9+$0x0] =	vst.idx.add.f32.msk $0xffff, v1  }
0x22: {  	v2 =	vld [tilespmem:s19+$0xFFFFFFC0];
	_ =	sdelay $0x7  }
0x23: {  	[tilespmem:v2+s9+$0x0] =	vst.idx.add.f32.msk $0xffff, v1  }
0x24: {  	v2 =	vld [tilespmem:s19+$0xFFFFFFD0];
	_ =	sdelay $0x7  }
0x25: {  	[tilespmem:v2+s9+$0x0] =	vst.idx.add.f32.msk $0xffff, v1  }
0x26: {  	v2 =	vld [tilespmem:s19+$0xFFFFFFE0];
	_ =	sdelay $0x7  }
0x27: {  	[tilespmem:v2+s9+$0x0] =	vst.idx.add.f32.msk $0xffff, v1  }
0x28: {  	v2 =	vld [tilespmem:s19+$0xFFFFFFF0];
	_ =	sdelay $0x7  }
0x29: {  	[tilespmem:v2+s9+$0x0] =	vst.idx.add.f32.msk $0xffff, v1  }
0x2a: {  	v2 =	vld [tilespmem:s19+$0x0];
	_ =	sdelay $0x2  }
0x2b: {  	p0 =	sne.s32 s18, $0x9DC0  }
.Ltmp1:
0x2c: {  	_ = 	snop;
	(pc) =	sbr.rel @p0 .LBB2_4-.Ltmp1, $2  }
0x2d: {  	_ =	sdelay $0x2  }
0x2e: {  	s18 =	sadd.s32 $0x200, s18;
	[tilespmem:v2+s9+$0x0] =	vst.idx.add.f32.msk $0xffff, v1  }
0x2f: {  	[spmem:s4] =	stream.strided.scatter [tilespmem:s9], [sflag:$0x1], $0x2800, s11, s10, $0x38;
	[tilespmem:$0xA280] =	vst v63  }
0x30: {  	_ =	swait.ge [sflag:s8], $0x2800  }
0x31: {  	[sflag:s8] =	ssyncset.done $0x0  }
0x32: {  	[sflag:s8] =	ssyncadd.s32 $0xFFFFD800  }
0x33: {  	[bflag:$0x0] =	sbarrier.arrive $0xFFFF  }
0x34: {  	[tilespmem:s14], [sflag:$0x1] =	stream.strided.gather [spmem:s5], $0x2800, s13, s12, $0x38;
	[tilespmem:$0xA280] =	vst v63  }
0x35: {  	s18 =	simm.s32 $0x0;
	_ =	swait.ge [sflag:s8], $0x2800  }
0x36: {  	s19 =	sand.u32 $0x70, s18;
	s18 =	sand.u32 $0x1C00, s18;
	[sflag:s8] =	ssyncset.done $0x0  }
0x37: {  	s18 =	sor.u32 s19, s18;
	[sflag:s8] =	ssyncadd.s32 $0xFFFFD800  }
0x38: {  	v2 =	vld [tilespmem:s18+$0x7880]  }
0x39: {  	v3 =	vld [tilespmem:s18+$0x7800];
	_ =	sdelay $0x1  }
0x3a: {  	v4 =	vld [tilespmem:s18+$0x7900];
	_ =	sdelay $0x1  }
0x3b: {  	v5 =	vld [tilespmem:s18+$0x7980]  }
0x3c: {  	v2 =	vadd.f32 v2, v3  }
0x3d: {  	v3 =	vld [tilespmem:s18+$0x7A00]  }
0x3e: {  	v2 =	vadd.f32 v4, v2  }
0x3f: {  	v56 =	vld [tilespmem:s18+$0x7A80]  }
0x40: {  	v2 =	vadd.f32 v5, v2  }
0x41: {  	v57 =	vld [tilespmem:s18+$0x7B00]  }
0x42: {  	v2 =	vadd.f32 v3, v2  }
0x43: {  	v3 =	vld [tilespmem:s18+$0x7B80]  }
0x44: {  	v2 =	vadd.f32 v56, v2  }
0x45: {  	v58 =	vld [tilespmem:s18+$0x8C00]  }
0x46: {  	v2 =	vadd.f32 v57, v2  }
0x47: {  	v59 =	vld [tilespmem:s18+$0x8C80]  }
0x48: {  	v2 =	vadd.f32 v3, v2  }
0x49: {  	v3 =	vld [tilespmem:s18+$0x8D00]  }
0x4a: {  	v2 =	vadd.f32 v58, v2  }
0x4b: {  	v60 =	vld [tilespmem:s18+$0x8D80]  }
0x4c: {  	v2 =	vadd.f32 v59, v2  }
0x4d: {  	v61 =	vld [tilespmem:s18+$0x8E00]  }
0x4e: {  	v2 =	vadd.f32 v3, v2  }
0x4f: {  	v3 =	vld [tilespmem:s18+$0x8E80]  }
0x50: {  	v2 =	vadd.f32 v60, v2  }
0x51: {  	v62 =	vld [tilespmem:s18+$0x8F00]  }
0x52: {  	v2 =	vadd.f32 v61, v2  }
0x53: {  	v63 =	vld [tilespmem:s18+$0x8F80]  }
0x54: {  	v2 =	vadd.f32 v3, v2;
	_ =	sdelay $0x1  }
0x55: {  	v2 =	vadd.f32 v62, v2;
	_ =	sdelay $0x1  }
0x56: {  	s31 =	simm.s32 $0x10;
	s20 =	simm.s32 $0x80;
	v2 =	vadd.f32 v63, v2  }
0x57: {  	s21 =	sand.u32 $0x1C00, s20;
	s19 =	sand.u32 $0x70, s31;
	s18 =	simm.s32 $0xA000  }
0x58: {  	s19 =	sor.u32 s19, s21;
	s21 =	simm.s32 $0x20;
	[tilespmem:s18+$0x0] =	vst v2  }
.LBB2_6:
0x59: {  	p0 =	sne.s32 s21, $0x270;
	v2 =	vld [tilespmem:s19+$0x7880]  }
0x5a: {  	v3 =	vld [tilespmem:s19+$0x7800];
	_ =	sdelay $0x1  }
0x5b: {  	v4 =	vld [tilespmem:s19+$0x7900];
	_ =	sdelay $0x1  }
0x5c: {  	v5 =	vld [tilespmem:s19+$0x7980]  }
0x5d: {  	v2 =	vadd.f32 v2, v3  }
0x5e: {  	v3 =	vld [tilespmem:s19+$0x7A00]  }
0x5f: {  	v2 =	vadd.f32 v4, v2  }
0x60: {  	v4 =	vld [tilespmem:s19+$0x7A80]  }
0x61: {  	v2 =	vadd.f32 v5, v2  }
0x62: {  	v5 =	vld [tilespmem:s19+$0x7B00]  }
0x63: {  	v2 =	vadd.f32 v3, v2  }
0x64: {  	v3 =	vld [tilespmem:s19+$0x7B80]  }
0x65: {  	v2 =	vadd.f32 v4, v2  }
0x66: {  	v4 =	vld [tilespmem:s19+$0x8C00]  }
0x67: {  	v2 =	vadd.f32 v5, v2  }
0x68: {  	v5 =	vld [tilespmem:s19+$0x8C80]  }
0x69: {  	v2 =	vadd.f32 v3, v2  }
0x6a: {  	v3 =	vld [tilespmem:s19+$0x8D00]  }
0x6b: {  	v2 =	vadd.f32 v4, v2  }
0x6c: {  	v4 =	vld [tilespmem:s19+$0x8D80]  }
0x6d: {  	v2 =	vadd.f32 v5, v2  }
0x6e: {  	v5 =	vld [tilespmem:s19+$0x8E00]  }
0x6f: {  	v2 =	vadd.f32 v3, v2  }
0x70: {  	v3 =	vld [tilespmem:s19+$0x8E80]  }
0x71: {  	v2 =	vadd.f32 v4, v2  }
0x72: {  	v4 =	vld [tilespmem:s19+$0x8F00]  }
0x73: {  	v2 =	vadd.f32 v5, v2  }
0x74: {  	v5 =	vld [tilespmem:s19+$0x8F80]  }
0x75: {  	v2 =	vadd.f32 v3, v2;
	_ =	sdelay $0x1  }
.Ltmp2:
0x76: {  	v2 =	vadd.f32 v4, v2;
	(pc) =	sbr.rel @p0 .LBB2_6-.Ltmp2, $4  }
0x77: {  	_ = 	snop  }
0x78: {  	s20 =	sadd.s32 $0x80, s20;
	v2 =	vadd.f32 v5, v2  }
0x79: {  	s18 =	sadd.s32 $0x10, s18;
	s22 =	sand.u32 $0x1C00, s20;
	s19 =	sand.u32 $0x70, s21  }
0x7a: {  	s21 =	sadd.s32 $0x10, s21;
	s19 =	sor.u32 s19, s22;
	[tilespmem:s18+$0x0] =	vst v2  }
0x7b: {  	v2 =	vld [tilespmem:s19+$0x7880]  }
0x7c: {  	v3 =	vld [tilespmem:s19+$0x7800];
	_ =	sdelay $0x1  }
0x7d: {  	v4 =	vld [tilespmem:s19+$0x7900];
	_ =	sdelay $0x1  }
0x7e: {  	v5 =	vld [tilespmem:s19+$0x7980]  }
0x7f: {  	v2 =	vadd.f32 v2, v3  }
0x80: {  	v3 =	vld [tilespmem:s19+$0x7A00]  }
0x81: {  	v2 =	vadd.f32 v4, v2  }
0x82: {  	v56 =	vld [tilespmem:s19+$0x7A80]  }
0x83: {  	v2 =	vadd.f32 v5, v2  }
0x84: {  	v57 =	vld [tilespmem:s19+$0x7B00]  }
0x85: {  	v2 =	vadd.f32 v3, v2  }
0x86: {  	v3 =	vld [tilespmem:s19+$0x7B80]  }
0x87: {  	v2 =	vadd.f32 v56, v2  }
0x88: {  	v58 =	vld [tilespmem:s19+$0x8C00]  }
0x89: {  	v2 =	vadd.f32 v57, v2  }
0x8a: {  	v59 =	vld [tilespmem:s19+$0x8C80]  }
0x8b: {  	v2 =	vadd.f32 v3, v2  }
0x8c: {  	v3 =	vld [tilespmem:s19+$0x8D00]  }
0x8d: {  	v2 =	vadd.f32 v58, v2  }
0x8e: {  	v60 =	vld [tilespmem:s19+$0x8D80]  }
0x8f: {  	v2 =	vadd.f32 v59, v2  }
0x90: {  	v61 =	vld [tilespmem:s19+$0x8E00]  }
0x91: {  	v2 =	vadd.f32 v3, v2  }
0x92: {  	v3 =	vld [tilespmem:s19+$0x8E80]  }
0x93: {  	v2 =	vadd.f32 v60, v2  }
0x94: {  	v62 =	vld [tilespmem:s19+$0x8F00]  }
0x95: {  	v2 =	vadd.f32 v61, v2  }
0x96: {  	v63 =	vld [tilespmem:s19+$0x8F80]  }
0x97: {  	v2 =	vadd.f32 v3, v2;
	_ =	sdelay $0x1  }
0x98: {  	v2 =	vadd.f32 v62, v2;
	_ =	sdelay $0x1  }
0x99: {  	s17 =	sadd.s32 $0x1, s17;
	v2 =	vadd.f32 v63, v2  }
0x9a: {  	s18 =	sadd.s32 $0x10, s18;
	p0 =	sne.s32 s17, s7  }
.Ltmp3:
0x9b: {  	[tilespmem:s18+$0x0] =	vst v2;
	(pc) =	sbr.rel @p0 .LBB2_1-.Ltmp3, $4  }
0x9c: {  	[hbm4b:s6+s10] =	stream.strided.scatter [tilespmem:s16], [sflag:$0x1], $0x280, s15, s10, $0x38;
	[tilespmem:$0xA280] =	vst v63  }
0x9d: {  	_ =	swait.ge [sflag:s8], $0x280  }
0x9e: {  	[sflag:s8] =	ssyncset.done $0x0  }
0x9f: {  	[sflag:s8] =	ssyncadd.s32 $0xFFFFFD80  }
0xa0: {  	_ =	sfence.sel $0x180000  }
0xa1: {  	[bflag:$0x0] =	sbarrier.arrive $0xFFFF  }
0xa2: {  	p0 =	sne.s32 s0, $0x0;
	_ =	strace $0x90000047  }
0xa3: {  	s0 =	sadd.s32 @!p0 $0x100000, s1;
	[bflag:$0x2] =	sbarrier.arrive $0xFFFF  }
0xa4: {  	[sflag:s0] =	ssyncadd.tile.s32 @!p0 $0x1;
	_ =	shalt  }
.Lfunc_end2:
_tile_overlayer_lowered:
.L_overlay_start_2:
0xa5: {  	(tag) =	ssettag $0x2  }
0xa6: {  	s0 =	rddreg [dreg:$0x0];
	s2 =	stileid.u32  }
0xa7: {  	s1 =	rddreg [dreg:$0x1];
	p0 =	sne.s32 s2, $0x0  }
0xa8: {  	s3 =	rddreg [dreg:$0x2];
	[bflag:$0x3] =	sbarrier.arrive $0xFFFF;
	s2 =	simm.s32 @!p0 $0x1C01  }
0xa9: {  	[timem:s3], [sflag:s2] =	dma.local @!p0 [hbm:s0], s1  }
0xaa: {  	s0 =	simm.s32 @!p0 $0x1  }
0xab: {  	_ =	swait.ge @!p0 [sflag:s0], s1  }
0xac: {  	s1 =	ssub.s32 @!p0 $0x0, s1;
	[sflag:s0] =	ssyncset.done @!p0 $0x0  }
0xad: {  	[sflag:s0] =	ssyncadd.s32 @!p0 s1  }
0xae: {  	[bflag:$0x3] =	sbarrier.arrive $0xFFFF  }
0xaf: {  	_ =	shalt  }

</sc_bundles>
